<compile_context>
chip_gen: v7x
topology: tpu7x:2x2x1
jax: 0.10.2.dev20260603
libtpu: 0.0.44.dev20260713+nightly
codegen_flags: <defaults>
</compile_context>

<pallas_src>
import functools

import jax
import jax.numpy as jnp
from jax import lax
from jax.experimental import pallas as pl
from jax.experimental.pallas import tpu as pltpu
from jax.experimental.pallas import tpu_sc as plsc

N = 10000
E = 320000
DIN = 128
DHID = 128
DOUT = 16
DH = DHID // 2

NC = 2
NS = 16
NW = NC * NS
CH = 128
NCHUNK1 = 158
NCHUNK2 = 80
NPAD = 10112
RPT = NPAD // NS
OPT = N // NS

BM = 2000


def _sc_l1_body(feat_hbm, rows_hbm, cols_hbm, zf_hbm, zd_hbm, ones_hbm,
                pa0_hbm, pd0_hbm,
                raw_row, raw_col, g0, g1, ones_v,
                acc_sh, deg_sh, sem0, sem1):
  cid = lax.axis_index("c")
  sid = lax.axis_index("s")

  slz = pl.ds(sid * RPT, RPT)
  pltpu.sync_copy(zf_hbm, acc_sh.at[slz])
  pltpu.sync_copy(zd_hbm, deg_sh.at[slz])
  pltpu.sync_copy(ones_hbm, ones_v)
  pltpu.sync_copy(rows_hbm.at[cid, sid], raw_row)
  pltpu.sync_copy(cols_hbm.at[sid], raw_col)
  plsc.subcore_barrier()

  nh = NCHUNK1 // 2
  pltpu.async_copy(feat_hbm.at[raw_row.at[0]], g0, sem0)
  pltpu.async_copy(feat_hbm.at[raw_row.at[1]], g1, sem1)

  def pair(i, carry):
    j0 = i * 2
    j1 = j0 + 1
    pltpu.make_async_copy(feat_hbm.at[raw_row.at[j0]], g0, sem0).wait()
    pltpu.sync_copy(g0, acc_sh.at[raw_col.at[j0]], add=True)

    @pl.when(cid == 0)
    def _():
      pltpu.sync_copy(ones_v, deg_sh.at[raw_col.at[j0]], add=True)

    @pl.when(i + 1 < nh)
    def _():
      pltpu.async_copy(feat_hbm.at[raw_row.at[j0 + 2]], g0, sem0)

    pltpu.make_async_copy(feat_hbm.at[raw_row.at[j1]], g1, sem1).wait()
    pltpu.sync_copy(g1, acc_sh.at[raw_col.at[j1]], add=True)

    @pl.when(cid == 1)
    def _():
      pltpu.sync_copy(ones_v, deg_sh.at[raw_col.at[j1]], add=True)

    @pl.when(i + 1 < nh)
    def _():
      pltpu.async_copy(feat_hbm.at[raw_row.at[j1 + 2]], g1, sem1)

    return carry

  lax.fori_loop(0, nh, pair, 0)
  plsc.subcore_barrier()

  slo = pl.ds(sid * RPT, RPT)
  pltpu.sync_copy(acc_sh.at[slo], pa0_hbm.at[cid, slo])
  pltpu.sync_copy(deg_sh.at[slo], pd0_hbm.at[cid, slo])


_sc_l1 = functools.partial(
    pl.kernel,
    out_type=[jax.ShapeDtypeStruct((NC, NPAD, DH), jnp.float32),
              jax.ShapeDtypeStruct((NC, NPAD, 16), jnp.float32)],
    mesh=plsc.VectorSubcoreMesh(core_axis_name="c", subcore_axis_name="s"),
    scratch_types=[
        pltpu.VMEM((NCHUNK1, CH), jnp.int32),
        pltpu.VMEM((NCHUNK1, CH), jnp.int32),
        pltpu.VMEM((CH, DH), jnp.float32),
        pltpu.VMEM((CH, DH), jnp.float32),
        pltpu.VMEM((CH, 16), jnp.float32),
        pltpu.VMEM_SHARED((NPAD, DH), jnp.float32),
        pltpu.VMEM_SHARED((NPAD, 16), jnp.float32),
        pltpu.SemaphoreType.DMA,
        pltpu.SemaphoreType.DMA,
    ],
    compiler_params=pltpu.CompilerParams(use_tc_tiling_on_sc=False),
    )(_sc_l1_body)


def _sc_l2_body(feat_hbm, rows_hbm, cols_hbm, zf_hbm,
                pa0_hbm, pa1_hbm,
                raw_row, raw_col, g0, g1, acc_sh, sem0, sem1):
  cid = lax.axis_index("c")
  sid = lax.axis_index("s")
  wid = cid * NS + sid

  slz = pl.ds(sid * RPT, RPT)
  pltpu.sync_copy(zf_hbm, acc_sh.at[slz])
  pltpu.sync_copy(rows_hbm.at[wid], raw_row)
  pltpu.sync_copy(cols_hbm.at[wid], raw_col)
  plsc.subcore_barrier()

  nh = NCHUNK2 // 2
  pltpu.async_copy(feat_hbm.at[raw_row.at[0]], g0, sem0)
  pltpu.async_copy(feat_hbm.at[raw_row.at[1]], g1, sem1)

  def pair(i, carry):
    j0 = i * 2
    j1 = j0 + 1
    pltpu.make_async_copy(feat_hbm.at[raw_row.at[j0]], g0, sem0).wait()
    pltpu.sync_copy(g0, acc_sh.at[raw_col.at[j0]], add=True)

    @pl.when(i + 1 < nh)
    def _():
      pltpu.async_copy(feat_hbm.at[raw_row.at[j0 + 2]], g0, sem0)

    pltpu.make_async_copy(feat_hbm.at[raw_row.at[j1]], g1, sem1).wait()
    pltpu.sync_copy(g1, acc_sh.at[raw_col.at[j1]], add=True)

    @pl.when(i + 1 < nh)
    def _():
      pltpu.async_copy(feat_hbm.at[raw_row.at[j1 + 2]], g1, sem1)

    return carry

  lax.fori_loop(0, nh, pair, 0)
  plsc.subcore_barrier()

  slo = pl.ds(sid * OPT, OPT)

  @pl.when(cid == 0)
  def _():
    pltpu.sync_copy(acc_sh.at[slo], pa0_hbm.at[slo])

  @pl.when(cid == 1)
  def _():
    pltpu.sync_copy(acc_sh.at[slo], pa1_hbm.at[slo])


_sc_l2 = functools.partial(
    pl.kernel,
    out_type=[jax.ShapeDtypeStruct((N, DOUT), jnp.float32),
              jax.ShapeDtypeStruct((N, DOUT), jnp.float32)],
    mesh=plsc.VectorSubcoreMesh(core_axis_name="c", subcore_axis_name="s"),
    scratch_types=[
        pltpu.VMEM((NCHUNK2, CH), jnp.int32),
        pltpu.VMEM((NCHUNK2, CH), jnp.int32),
        pltpu.VMEM((CH, DOUT), jnp.float32),
        pltpu.VMEM((CH, DOUT), jnp.float32),
        pltpu.VMEM_SHARED((NPAD, DOUT), jnp.float32),
        pltpu.SemaphoreType.DMA,
        pltpu.SemaphoreType.DMA,
    ],
    compiler_params=pltpu.CompilerParams(use_tc_tiling_on_sc=False),
    )(_sc_l2_body)


def _phase_a(x_ref, wr_ref, b_ref, r_ref):
  r_ref[...] = (jnp.dot(x_ref[...], wr_ref[...],
                        preferred_element_type=jnp.float32) + b_ref[...])


def _phase_c(x_ref, a0_ref, a1_ref, d0_ref, d1_ref, r1_ref, w1o_ref, wo_ref,
             wr_ref, b_ref, p_ref, r2_ref, dinv_ref):
  deg = 1.0 + d0_ref[:, :1] + d1_ref[:, :1]
  dinv = 1.0 / jnp.maximum(deg, 1.0)
  agg = (x_ref[...]
         + jnp.concatenate([a0_ref[...], a1_ref[...]], axis=1)) * dinv
  h = jnp.maximum(
      jnp.dot(agg, w1o_ref[...], preferred_element_type=jnp.float32)
      + r1_ref[...], 0.0)
  p_ref[...] = jnp.dot(h, wo_ref[...], preferred_element_type=jnp.float32)
  r2_ref[...] = (jnp.dot(h, wr_ref[...], preferred_element_type=jnp.float32)
                 + b_ref[...])
  dinv_ref[...] = jnp.broadcast_to(dinv, dinv_ref.shape)


def _phase_e(p_ref, q0_ref, q1_ref, dinv_ref, r2_ref, o_ref):
  o_ref[...] = ((p_ref[...] + q0_ref[...] + q1_ref[...]) * dinv_ref[...]
                + r2_ref[...])


def kernel(x, train_pos_edge_index, W1_out, b1_out, W1_root, W2_out, b2_out,
           W2_root):
  row = train_pos_edge_index[0]
  col = train_pos_edge_index[1]
  colm = jnp.where(row == col, jnp.int32(N), col)
  pad1 = NS * NCHUNK1 * CH - E
  rows1 = jnp.concatenate(
      [row, jnp.zeros((pad1,), jnp.int32)]).reshape(NS, NCHUNK1, CH)
  rows1 = jnp.stack([rows1, rows1 + N])
  cols1 = jnp.concatenate(
      [colm, jnp.full((pad1,), N, jnp.int32)]).reshape(NS, NCHUNK1, CH)
  pad2 = NW * NCHUNK2 * CH - E
  rows2 = jnp.concatenate(
      [row, jnp.zeros((pad2,), jnp.int32)]).reshape(NW, NCHUNK2, CH)
  cols2 = jnp.concatenate(
      [colm, jnp.full((pad2,), N, jnp.int32)]).reshape(NW, NCHUNK2, CH)

  zf = jnp.zeros((RPT, DH), jnp.float32)
  zd = jnp.zeros((RPT, 16), jnp.float32)
  ones = jnp.ones((CH, 16), jnp.float32)

  grid = (N // BM,)
  full = lambda shape: pl.BlockSpec(shape, lambda i: (0,) * len(shape))
  rows_spec = lambda width: pl.BlockSpec((BM, width), lambda i: (i, 0))

  x2 = jnp.stack([x[:, :DH], x[:, DH:]]).reshape(NC * N, DH)
  pa, pd = _sc_l1(x2, rows1, cols1, zf, zd, ones)
  pa0, pa1 = pa[0, :N], pa[1, :N]
  pd0, pd1 = pd[0, :N], pd[1, :N]

  r1 = pl.pallas_call(
      _phase_a,
      grid=grid,
      in_specs=[rows_spec(DIN), full((DIN, DHID)), full((1, DHID))],
      out_specs=rows_spec(DHID),
      out_shape=jax.ShapeDtypeStruct((N, DHID), jnp.float32),
  )(x, W1_root, b1_out.reshape(1, DHID))

  p, r2, dinv = pl.pallas_call(
      _phase_c,
      grid=grid,
      in_specs=[rows_spec(DIN), rows_spec(DH), rows_spec(DH),
                rows_spec(16), rows_spec(16), rows_spec(DHID),
                full((DIN, DHID)), full((DHID, DOUT)), full((DHID, DOUT)),
                pl.BlockSpec((1, DOUT), lambda i: (0, 0))],
      out_specs=[rows_spec(DOUT), rows_spec(DOUT), rows_spec(16)],
      out_shape=[jax.ShapeDtypeStruct((N, DOUT), jnp.float32),
                 jax.ShapeDtypeStruct((N, DOUT), jnp.float32),
                 jax.ShapeDtypeStruct((N, 16), jnp.float32)],
  )(x, pa0, pa1, pd0, pd1, r1, W1_out, W2_out, W2_root,
    b2_out.reshape(1, DOUT))

  q0, q1 = _sc_l2(p, rows2, cols2, zd[:, :DOUT])

  out = pl.pallas_call(
      _phase_e,
      grid=grid,
      in_specs=[rows_spec(DOUT), rows_spec(DOUT), rows_spec(DOUT),
                rows_spec(16), rows_spec(DOUT)],
      out_specs=rows_spec(DOUT),
      out_shape=jax.ShapeDtypeStruct((N, DOUT), jnp.float32),
  )(p, q0, q1, dinv, r2)
  return out

# --- scband reference (transcript-rebuilt; emitter-appended) ---
"""Pipeline reference for scband-cluster-gcnconv-encoder-4801773437672 (READ-ONLY COPY).

The authoritative reference and input builder live on the scoring server;
editing this copy changes nothing except your own understanding.
"""

import jax, jax.numpy as jnp
import numpy as np

N_NODES = 10000
N_EDGES = 320000
D_IN = 128
D_HID = 128
D_OUT = 16


def _cluster_gcn_conv(x, row, col, valid, W_out, b_out, W_root, diag_lambda=0.0):
    # row/col already have self-loops removed and re-added (PyG ClusterGCNConv semantics)
    N = x.shape[0]
    deg = jnp.zeros((N,), dtype=x.dtype).at[col].add(valid)
    deg_inv = 1.0 / jnp.clip(deg, 1.0, None)
    edge_weight = deg_inv[col] * valid
    self_mask = (row == col).astype(x.dtype) * valid
    edge_weight = edge_weight + self_mask * diag_lambda * deg_inv[row]
    # message: edge_weight * x_j  (j = source = row), aggregate (sum) at target = col
    msgs = edge_weight[:, None] * jnp.take(x, row, axis=0)
    agg = jnp.zeros((N, x.shape[1]), dtype=x.dtype).at[col].add(msgs)
    # out = lin_out(agg) + lin_root(x)
    return agg @ W_out + b_out + x @ W_root


def _normalize_edges(edge_index, num_nodes):
    row, col = edge_index[0], edge_index[1]
    mask = row != col  # remove self loops (as zero-weight edges, fixed shape)
    loop = jnp.arange(num_nodes, dtype=row.dtype)  # add self loops
    row = jnp.concatenate([row, loop])
    col = jnp.concatenate([col, loop])
    valid = jnp.concatenate([mask.astype(jnp.float32),
                             jnp.ones((num_nodes,), dtype=jnp.float32)])
    return row, col, valid


def setup_inputs(seed: int = 0) -> dict:
    key = jax.random.key(seed)
    ks = jax.random.split(key, 10)
    x = jax.random.normal(ks[0], (N_NODES, D_IN), dtype=jnp.float32)
    train_pos_edge_index = jax.random.randint(ks[1], (2, N_EDGES), 0, N_NODES, dtype=jnp.int32)
    s1 = 1.0 / np.sqrt(D_IN)
    s2 = 1.0 / np.sqrt(D_HID)
    W1_out = jax.random.uniform(ks[2], (D_IN, D_HID), dtype=jnp.float32, minval=-s1, maxval=s1)
    b1_out = jax.random.uniform(ks[3], (D_HID,), dtype=jnp.float32, minval=-s1, maxval=s1)
    W1_root = jax.random.uniform(ks[4], (D_IN, D_HID), dtype=jnp.float32, minval=-s1, maxval=s1)
    W2_out = jax.random.uniform(ks[5], (D_HID, D_OUT), dtype=jnp.float32, minval=-s2, maxval=s2)
    b2_out = jax.random.uniform(ks[6], (D_OUT,), dtype=jnp.float32, minval=-s2, maxval=s2)
    W2_root = jax.random.uniform(ks[7], (D_HID, D_OUT), dtype=jnp.float32, minval=-s2, maxval=s2)
    return {"x": x, "train_pos_edge_index": train_pos_edge_index,
            "W1_out": W1_out, "b1_out": b1_out, "W1_root": W1_root,
            "W2_out": W2_out, "b2_out": b2_out, "W2_root": W2_root}


def reference(x, train_pos_edge_index, W1_out, b1_out, W1_root, W2_out, b2_out, W2_root):
    row, col, valid = _normalize_edges(train_pos_edge_index, x.shape[0])
    h = _cluster_gcn_conv(x, row, col, valid, W1_out, b1_out, W1_root, diag_lambda=0.0)
    h = jax.nn.relu(h)
    out = _cluster_gcn_conv(h, row, col, valid, W2_out, b2_out, W2_root, diag_lambda=0.0)
    return out

if __name__ == "__main__":
    import jax
    _d = setup_inputs()
    print(jax.jit(kernel)(*tuple(_d.values())))

</pallas_src>

<mosaic_0001>
#map = affine_map<(d0, d1) -> (0, 0)>
#map1 = affine_map<(d0, d1) -> (0, 0, 0, 0)>
#map2 = affine_map<(d0, d1) -> (0, 0, 0)>
module attributes {stable_mosaic.version = 14 : i64} {
  func.func @_sc_l1_body(%arg0: i32, %arg1: i32, %arg2: memref<20000x64xf32, #tpu.memory_space<hbm>>, %arg3: memref<2x16x158x128xi32, #tpu.memory_space<hbm>>, %arg4: memref<16x158x128xi32, #tpu.memory_space<hbm>>, %arg5: memref<632x64xf32, #tpu.memory_space<hbm>>, %arg6: memref<632x16xf32, #tpu.memory_space<hbm>>, %arg7: memref<128x16xf32, #tpu.memory_space<hbm>>, %arg8: memref<2x10112x64xf32, #tpu.memory_space<hbm>>, %arg9: memref<2x10112x16xf32, #tpu.memory_space<hbm>>, %arg10: memref<158x128xi32, #tpu.memory_space<vmem>>, %arg11: memref<158x128xi32, #tpu.memory_space<vmem>>, %arg12: memref<128x64xf32, #tpu.memory_space<vmem>>, %arg13: memref<128x64xf32, #tpu.memory_space<vmem>>, %arg14: memref<128x16xf32, #tpu.memory_space<vmem>>, %arg15: memref<10112x64xf32, #tpu.memory_space<vmem_shared>>, %arg16: memref<10112x16xf32, #tpu.memory_space<vmem_shared>>, %arg17: memref<!tpu.dma_semaphore, #tpu.memory_space<semaphore_mem>>, %arg18: memref<!tpu.dma_semaphore, #tpu.memory_space<semaphore_mem>>) attributes {dimension_semantics = [#tpu.dimension_semantics<core_parallel>, #tpu.dimension_semantics<subcore_parallel>], iteration_bounds = array<i64: 2, 16>, scalar_prefetch = 0 : i64, scratch_operands = 9 : i64, tpu.core_type = #tpu.core_type<sc_vector_subcore>, window_params = [{transform_indices = #map}, {transform_indices = #map1}, {transform_indices = #map2}, {transform_indices = #map}, {transform_indices = #map}, {transform_indices = #map}, {transform_indices = #map2}, {transform_indices = #map2}]} {
    %mul3A = arith.constant 632 : i32
    %mul3A_0 = arith.muli %arg1, %mul3A : i32
    "tpu.region"() ({
      %run_scoped3A = tpu.sem_alloc : memref<!tpu.dma_semaphore, #tpu.memory_space<semaphore_mem>>
      %dma_start3A_22 = arith.constant 0 : i32
      %dma_start3A_23 = tpu.memref_slice %arg15[%mul3A_0, %dma_start3A_22] : memref<10112x64xf32, #tpu.memory_space<vmem_shared>> -> memref<632x64xf32, #tpu.memory_space<vmem_shared>>
      tpu.enqueue_dma source(%arg5 : memref<632x64xf32, #tpu.memory_space<hbm>>) target(%dma_start3A_23 : memref<632x64xf32, #tpu.memory_space<vmem_shared>>) target_semaphore(%run_scoped3A : memref<!tpu.dma_semaphore, #tpu.memory_space<semaphore_mem>>)
      %dma_wait3A = arith.constant 0 : i32
      %dma_wait3A_24 = tpu.memref_slice %arg15[%mul3A_0, %dma_wait3A] : memref<10112x64xf32, #tpu.memory_space<vmem_shared>> -> memref<632x64xf32, #tpu.memory_space<vmem_shared>>
      tpu.wait_dma2 semaphore(%run_scoped3A : memref<!tpu.dma_semaphore, #tpu.memory_space<semaphore_mem>>) src(%arg5 : memref<632x64xf32, #tpu.memory_space<hbm>>) dst(%dma_wait3A_24 : memref<632x64xf32, #tpu.memory_space<vmem_shared>>)
      tpu.yield
    }) : () -> ()
    "tpu.region"() ({
      %run_scoped3A = tpu.sem_alloc : memref<!tpu.dma_semaphore, #tpu.memory_space<semaphore_mem>>
      %dma_start3A_22 = arith.constant 0 : i32
      %dma_start3A_23 = tpu.memref_slice %arg16[%mul3A_0, %dma_start3A_22] : memref<10112x16xf32, #tpu.memory_space<vmem_shared>> -> memref<632x16xf32, #tpu.memory_space<vmem_shared>>
      tpu.enqueue_dma source(%arg6 : memref<632x16xf32, #tpu.memory_space<hbm>>) target(%dma_start3A_23 : memref<632x16xf32, #tpu.memory_space<vmem_shared>>) target_semaphore(%run_scoped3A : memref<!tpu.dma_semaphore, #tpu.memory_space<semaphore_mem>>)
      %dma_wait3A = arith.constant 0 : i32
      %dma_wait3A_24 = tpu.memref_slice %arg16[%mul3A_0, %dma_wait3A] : memref<10112x16xf32, #tpu.memory_space<vmem_shared>> -> memref<632x16xf32, #tpu.memory_space<vmem_shared>>
      tpu.wait_dma2 semaphore(%run_scoped3A : memref<!tpu.dma_semaphore, #tpu.memory_space<semaphore_mem>>) src(%arg6 : memref<632x16xf32, #tpu.memory_space<hbm>>) dst(%dma_wait3A_24 : memref<632x16xf32, #tpu.memory_space<vmem_shared>>)
      tpu.yield
    }) : () -> ()
    "tpu.region"() ({
      %run_scoped3A = tpu.sem_alloc : memref<!tpu.dma_semaphore, #tpu.memory_space<semaphore_mem>>
      tpu.enqueue_dma source(%arg7 : memref<128x16xf32, #tpu.memory_space<hbm>>) target(%arg14 : memref<128x16xf32, #tpu.memory_space<vmem>>) target_semaphore(%run_scoped3A : memref<!tpu.dma_semaphore, #tpu.memory_space<semaphore_mem>>)
      tpu.wait_dma2 semaphore(%run_scoped3A : memref<!tpu.dma_semaphore, #tpu.memory_space<semaphore_mem>>) src(%arg7 : memref<128x16xf32, #tpu.memory_space<hbm>>) dst(%arg14 : memref<128x16xf32, #tpu.memory_space<vmem>>)
      tpu.yield
    }) : () -> ()
    "tpu.region"() ({
      %run_scoped3A = tpu.sem_alloc : memref<!tpu.dma_semaphore, #tpu.memory_space<semaphore_mem>>
      %dma_start3A_22 = arith.constant 0 : i32
      %dma_start3A_23 = arith.constant 0 : i32
      %dma_start3A_24 = tpu.memref_slice %arg3[%arg0, %arg1, %dma_start3A_22, %dma_start3A_23] : memref<2x16x158x128xi32, #tpu.memory_space<hbm>> -> memref<1x1x158x128xi32, #tpu.memory_space<hbm>>
      %dma_start3A_25 = tpu.memref_squeeze %dma_start3A_24 : memref<1x1x158x128xi32, #tpu.memory_space<hbm>> -> memref<158x128xi32, #tpu.memory_space<hbm>>
      %dma_start3A_26 = arith.constant 0 : i32
      %dma_start3A_27 = arith.constant 0 : i32
      %dma_start3A_28 = tpu.memref_slice %arg3[%arg0, %arg1, %dma_start3A_26, %dma_start3A_27] : memref<2x16x158x128xi32, #tpu.memory_space<hbm>> -> memref<1x1x158x128xi32, #tpu.memory_space<hbm>>
      %dma_start3A_29 = tpu.memref_squeeze %dma_start3A_28 : memref<1x1x158x128xi32, #tpu.memory_space<hbm>> -> memref<158x128xi32, #tpu.memory_space<hbm>>
      tpu.enqueue_dma source(%dma_start3A_29 : memref<158x128xi32, #tpu.memory_space<hbm>>) target(%arg10 : memref<158x128xi32, #tpu.memory_space<vmem>>) target_semaphore(%run_scoped3A : memref<!tpu.dma_semaphore, #tpu.memory_space<semaphore_mem>>)
      %dma_wait3A = arith.constant 0 : i32
      %dma_wait3A_30 = arith.constant 0 : i32
      %dma_wait3A_31 = tpu.memref_slice %arg3[%arg0, %arg1, %dma_wait3A, %dma_wait3A_30] : memref<2x16x158x128xi32, #tpu.memory_space<hbm>> -> memref<1x1x158x128xi32, #tpu.memory_space<hbm>>
      %dma_wait3A_32 = tpu.memref_squeeze %dma_wait3A_31 : memref<1x1x158x128xi32, #tpu.memory_space<hbm>> -> memref<158x128xi32, #tpu.memory_space<hbm>>
      %dma_wait3A_33 = arith.constant 0 : i32
      %dma_wait3A_34 = arith.constant 0 : i32
      %dma_wait3A_35 = tpu.memref_slice %arg3[%arg0, %arg1, %dma_wait3A_33, %dma_wait3A_34] : memref<2x16x158x128xi32, #tpu.memory_space<hbm>> -> memref<1x1x158x128xi32, #tpu.memory_space<hbm>>
      %dma_wait3A_36 = tpu.memref_squeeze %dma_wait3A_35 : memref<1x1x158x128xi32, #tpu.memory_space<hbm>> -> memref<158x128xi32, #tpu.memory_space<hbm>>
      tpu.wait_dma2 semaphore(%run_scoped3A : memref<!tpu.dma_semaphore, #tpu.memory_space<semaphore_mem>>) src(%dma_wait3A_36 : memref<158x128xi32, #tpu.memory_space<hbm>>) dst(%arg10 : memref<158x128xi32, #tpu.memory_space<vmem>>)
      tpu.yield
    }) : () -> ()
    "tpu.region"() ({
      %run_scoped3A = tpu.sem_alloc : memref<!tpu.dma_semaphore, #tpu.memory_space<semaphore_mem>>
      %dma_start3A_22 = arith.constant 0 : i32
      %dma_start3A_23 = arith.constant 0 : i32
      %dma_start3A_24 = tpu.memref_slice %arg4[%arg1, %dma_start3A_22, %dma_start3A_23] : memref<16x158x128xi32, #tpu.memory_space<hbm>> -> memref<1x158x128xi32, #tpu.memory_space<hbm>>
      %dma_start3A_25 = tpu.memref_squeeze %dma_start3A_24 : memref<1x158x128xi32, #tpu.memory_space<hbm>> -> memref<158x128xi32, #tpu.memory_space<hbm>>
      %dma_start3A_26 = arith.constant 0 : i32
      %dma_start3A_27 = arith.constant 0 : i32
      %dma_start3A_28 = tpu.memref_slice %arg4[%arg1, %dma_start3A_26, %dma_start3A_27] : memref<16x158x128xi32, #tpu.memory_space<hbm>> -> memref<1x158x128xi32, #tpu.memory_space<hbm>>
      %dma_start3A_29 = tpu.memref_squeeze %dma_start3A_28 : memref<1x158x128xi32, #tpu.memory_space<hbm>> -> memref<158x128xi32, #tpu.memory_space<hbm>>
      tpu.enqueue_dma source(%dma_start3A_29 : memref<158x128xi32, #tpu.memory_space<hbm>>) target(%arg11 : memref<158x128xi32, #tpu.memory_space<vmem>>) target_semaphore(%run_scoped3A : memref<!tpu.dma_semaphore, #tpu.memory_space<semaphore_mem>>)
      %dma_wait3A = arith.constant 0 : i32
      %dma_wait3A_30 = arith.constant 0 : i32
      %dma_wait3A_31 = tpu.memref_slice %arg4[%arg1, %dma_wait3A, %dma_wait3A_30] : memref<16x158x128xi32, #tpu.memory_space<hbm>> -> memref<1x158x128xi32, #tpu.memory_space<hbm>>
      %dma_wait3A_32 = tpu.memref_squeeze %dma_wait3A_31 : memref<1x158x128xi32, #tpu.memory_space<hbm>> -> memref<158x128xi32, #tpu.memory_space<hbm>>
      %dma_wait3A_33 = arith.constant 0 : i32
      %dma_wait3A_34 = arith.constant 0 : i32
      %dma_wait3A_35 = tpu.memref_slice %arg4[%arg1, %dma_wait3A_33, %dma_wait3A_34] : memref<16x158x128xi32, #tpu.memory_space<hbm>> -> memref<1x158x128xi32, #tpu.memory_space<hbm>>
      %dma_wait3A_36 = tpu.memref_squeeze %dma_wait3A_35 : memref<1x158x128xi32, #tpu.memory_space<hbm>> -> memref<158x128xi32, #tpu.memory_space<hbm>>
      tpu.wait_dma2 semaphore(%run_scoped3A : memref<!tpu.dma_semaphore, #tpu.memory_space<semaphore_mem>>) src(%dma_wait3A_36 : memref<158x128xi32, #tpu.memory_space<hbm>>) dst(%arg11 : memref<158x128xi32, #tpu.memory_space<vmem>>)
      tpu.yield
    }) : () -> ()
    %barrier3A = arith.constant 0 : index
    tpu.barrier barrier_id(%barrier3A)
    %dma_start3A = arith.constant 0 : i32
    %dma_start3A_1 = arith.constant 0 : i32
    %dma_start3A_2 = tpu.memref_slice %arg10[%dma_start3A, %dma_start3A_1] : memref<158x128xi32, #tpu.memory_space<vmem>> -> memref<1x128xi32, #tpu.memory_space<vmem>>
    %dma_start3A_3 = tpu.memref_squeeze %dma_start3A_2 : memref<1x128xi32, #tpu.memory_space<vmem>> -> memref<128xi32, #tpu.memory_space<vmem>>
    %dma_start3A_4 = arith.constant 0 : i32
    %dma_start3A_5 = arith.constant 0 : i32
    %dma_start3A_6 = tpu.memref_slice %arg2[%dma_start3A_4, %dma_start3A_5] : memref<20000x64xf32, #tpu.memory_space<hbm>> -> memref<20000x64xf32, #tpu.memory_space<hbm>>
    tpu.enqueue_indirect_dma source(%dma_start3A_6 : memref<20000x64xf32, #tpu.memory_space<hbm>>) target(%arg12 : memref<128x64xf32, #tpu.memory_space<vmem>>) offsets(%dma_start3A_3 : memref<128xi32, #tpu.memory_space<vmem>>) semaphore(%arg17 : memref<!tpu.dma_semaphore, #tpu.memory_space<semaphore_mem>>)
    %dma_start3A_7 = arith.constant 1 : i32
    %dma_start3A_8 = arith.constant 0 : i32
    %dma_start3A_9 = tpu.memref_slice %arg10[%dma_start3A_7, %dma_start3A_8] : memref<158x128xi32, #tpu.memory_space<vmem>> -> memref<1x128xi32, #tpu.memory_space<vmem>>
    %dma_start3A_10 = tpu.memref_squeeze %dma_start3A_9 : memref<1x128xi32, #tpu.memory_space<vmem>> -> memref<128xi32, #tpu.memory_space<vmem>>
    %dma_start3A_11 = arith.constant 0 : i32
    %dma_start3A_12 = arith.constant 0 : i32
    %dma_start3A_13 = tpu.memref_slice %arg2[%dma_start3A_11, %dma_start3A_12] : memref<20000x64xf32, #tpu.memory_space<hbm>> -> memref<20000x64xf32, #tpu.memory_space<hbm>>
    tpu.enqueue_indirect_dma source(%dma_start3A_13 : memref<20000x64xf32, #tpu.memory_space<hbm>>) target(%arg13 : memref<128x64xf32, #tpu.memory_space<vmem>>) offsets(%dma_start3A_10 : memref<128xi32, #tpu.memory_space<vmem>>) semaphore(%arg18 : memref<!tpu.dma_semaphore, #tpu.memory_space<semaphore_mem>>)
    %scan3A = arith.constant 0 : i32
    %scan3A_14 = arith.constant 0 : i32
    %scan3A_15 = arith.constant 79 : i32
    %scan3A_16 = arith.addi %scan3A_14, %scan3A_15 : i32
    %scan3A_17 = arith.constant 1 : i32
    scf.for %scan3A_22 = %scan3A_14 to %scan3A_16 step %scan3A_17  : i32 {
      %mul3A_23 = arith.constant 2 : i32
      %mul3A_24 = arith.muli %scan3A_22, %mul3A_23 : i32
      %add3A = arith.constant 1 : i32
      %add3A_25 = arith.addi %mul3A_24, %add3A : i32
      %dma_wait3A = arith.constant 0 : i32
      %dma_wait3A_26 = tpu.memref_slice %arg10[%mul3A_24, %dma_wait3A] : memref<158x128xi32, #tpu.memory_space<vmem>> -> memref<1x128xi32, #tpu.memory_space<vmem>>
      %dma_wait3A_27 = tpu.memref_squeeze %dma_wait3A_26 : memref<1x128xi32, #tpu.memory_space<vmem>> -> memref<128xi32, #tpu.memory_space<vmem>>
      %dma_wait3A_28 = arith.constant 0 : i32
      %dma_wait3A_29 = arith.constant 0 : i32
      %dma_wait3A_30 = tpu.memref_slice %arg2[%dma_wait3A_28, %dma_wait3A_29] : memref<20000x64xf32, #tpu.memory_space<hbm>> -> memref<20000x64xf32, #tpu.memory_space<hbm>>
      tpu.wait_indirect_dma semaphore(%arg17 : memref<!tpu.dma_semaphore, #tpu.memory_space<semaphore_mem>>) src(%dma_wait3A_30 : memref<20000x64xf32, #tpu.memory_space<hbm>>) dst(%arg12 : memref<128x64xf32, #tpu.memory_space<vmem>>)
      "tpu.region"() ({
        %run_scoped3A = tpu.sem_alloc : memref<!tpu.dma_semaphore, #tpu.memory_space<semaphore_mem>>
        %dma_start3A_57 = arith.constant 0 : i32
        %dma_start3A_58 = tpu.memref_slice %arg11[%mul3A_24, %dma_start3A_57] : memref<158x128xi32, #tpu.memory_space<vmem>> -> memref<1x128xi32, #tpu.memory_space<vmem>>
        %dma_start3A_59 = tpu.memref_squeeze %dma_start3A_58 : memref<1x128xi32, #tpu.memory_space<vmem>> -> memref<128xi32, #tpu.memory_space<vmem>>
        %dma_start3A_60 = arith.constant 0 : i32
        %dma_start3A_61 = arith.constant 0 : i32
        %dma_start3A_62 = tpu.memref_slice %arg15[%dma_start3A_60, %dma_start3A_61] : memref<10112x64xf32, #tpu.memory_space<vmem_shared>> -> memref<10112x64xf32, #tpu.memory_space<vmem_shared>>
        tpu.enqueue_indirect_dma source(%arg12 : memref<128x64xf32, #tpu.memory_space<vmem>>) target(%dma_start3A_62 : memref<10112x64xf32, #tpu.memory_space<vmem_shared>>) offsets(%dma_start3A_59 : memref<128xi32, #tpu.memory_space<vmem>>) semaphore(%run_scoped3A : memref<!tpu.dma_semaphore, #tpu.memory_space<semaphore_mem>>) {add = true}
        %dma_wait3A_63 = arith.constant 0 : i32
        %dma_wait3A_64 = tpu.memref_slice %arg11[%mul3A_24, %dma_wait3A_63] : memref<158x128xi32, #tpu.memory_space<vmem>> -> memref<1x128xi32, #tpu.memory_space<vmem>>
        %dma_wait3A_65 = tpu.memref_squeeze %dma_wait3A_64 : memref<1x128xi32, #tpu.memory_space<vmem>> -> memref<128xi32, #tpu.memory_space<vmem>>
        %dma_wait3A_66 = arith.constant 0 : i32
        %dma_wait3A_67 = arith.constant 0 : i32
        %dma_wait3A_68 = tpu.memref_slice %arg15[%dma_wait3A_66, %dma_wait3A_67] : memref<10112x64xf32, #tpu.memory_space<vmem_shared>> -> memref<10112x64xf32, #tpu.memory_space<vmem_shared>>
        tpu.wait_indirect_dma semaphore(%run_scoped3A : memref<!tpu.dma_semaphore, #tpu.memory_space<semaphore_mem>>) src(%arg12 : memref<128x64xf32, #tpu.memory_space<vmem>>) dst(%dma_wait3A_68 : memref<10112x64xf32, #tpu.memory_space<vmem_shared>>)
        tpu.yield
      }) : () -> ()
      %eq3A = arith.constant 0 : i32
      %eq3A_31 = arith.cmpi eq, %arg0, %eq3A : i32
      %convert_element_type3A = arith.extui %eq3A_31 : i1 to i32
      %cond3A = arith.constant 0 : i32
      %cond3A_32 = arith.cmpi ne, %convert_element_type3A, %cond3A : i32
      scf.if %cond3A_32 {
        "tpu.region"() ({
          %run_scoped3A = tpu.sem_alloc : memref<!tpu.dma_semaphore, #tpu.memory_space<semaphore_mem>>
          %dma_start3A_57 = arith.constant 0 : i32
          %dma_start3A_58 = tpu.memref_slice %arg11[%mul3A_24, %dma_start3A_57] : memref<158x128xi32, #tpu.memory_space<vmem>> -> memref<1x128xi32, #tpu.memory_space<vmem>>
          %dma_start3A_59 = tpu.memref_squeeze %dma_start3A_58 : memref<1x128xi32, #tpu.memory_space<vmem>> -> memref<128xi32, #tpu.memory_space<vmem>>
          %dma_start3A_60 = arith.constant 0 : i32
          %dma_start3A_61 = arith.constant 0 : i32
          %dma_start3A_62 = tpu.memref_slice %arg16[%dma_start3A_60, %dma_start3A_61] : memref<10112x16xf32, #tpu.memory_space<vmem_shared>> -> memref<10112x16xf32, #tpu.memory_space<vmem_shared>>
          tpu.enqueue_indirect_dma source(%arg14 : memref<128x16xf32, #tpu.memory_space<vmem>>) target(%dma_start3A_62 : memref<10112x16xf32, #tpu.memory_space<vmem_shared>>) offsets(%dma_start3A_59 : memref<128xi32, #tpu.memory_space<vmem>>) semaphore(%run_scoped3A : memref<!tpu.dma_semaphore, #tpu.memory_space<semaphore_mem>>) {add = true}
          %dma_wait3A_63 = arith.constant 0 : i32
          %dma_wait3A_64 = tpu.memref_slice %arg11[%mul3A_24, %dma_wait3A_63] : memref<158x128xi32, #tpu.memory_space<vmem>> -> memref<1x128xi32, #tpu.memory_space<vmem>>
          %dma_wait3A_65 = tpu.memref_squeeze %dma_wait3A_64 : memref<1x128xi32, #tpu.memory_space<vmem>> -> memref<128xi32, #tpu.memory_space<vmem>>
          %dma_wait3A_66 = arith.constant 0 : i32
          %dma_wait3A_67 = arith.constant 0 : i32
          %dma_wait3A_68 = tpu.memref_slice %arg16[%dma_wait3A_66, %dma_wait3A_67] : memref<10112x16xf32, #tpu.memory_space<vmem_shared>> -> memref<10112x16xf32, #tpu.memory_space<vmem_shared>>
          tpu.wait_indirect_dma semaphore(%run_scoped3A : memref<!tpu.dma_semaphore, #tpu.memory_space<semaphore_mem>>) src(%arg14 : memref<128x16xf32, #tpu.memory_space<vmem>>) dst(%dma_wait3A_68 : memref<10112x16xf32, #tpu.memory_space<vmem_shared>>)
          tpu.yield
        }) : () -> ()
      } else {
      }
      %add3A_33 = arith.constant 1 : i32
      %add3A_34 = arith.addi %scan3A_22, %add3A_33 : i32
      %lt3A = arith.constant 79 : i32
      %lt3A_35 = arith.cmpi slt, %add3A_34, %lt3A : i32
      %convert_element_type3A_36 = arith.extui %lt3A_35 : i1 to i32
      %cond3A_37 = arith.constant 0 : i32
      %cond3A_38 = arith.cmpi ne, %convert_element_type3A_36, %cond3A_37 : i32
      scf.if %cond3A_38 {
        %add3A_57 = arith.constant 2 : i32
        %add3A_58 = arith.addi %mul3A_24, %add3A_57 : i32
        %dma_start3A_59 = arith.constant 0 : i32
        %dma_start3A_60 = tpu.memref_slice %arg10[%add3A_58, %dma_start3A_59] : memref<158x128xi32, #tpu.memory_space<vmem>> -> memref<1x128xi32, #tpu.memory_space<vmem>>
        %dma_start3A_61 = tpu.memref_squeeze %dma_start3A_60 : memref<1x128xi32, #tpu.memory_space<vmem>> -> memref<128xi32, #tpu.memory_space<vmem>>
        %dma_start3A_62 = arith.constant 0 : i32
        %dma_start3A_63 = arith.constant 0 : i32
        %dma_start3A_64 = tpu.memref_slice %arg2[%dma_start3A_62, %dma_start3A_63] : memref<20000x64xf32, #tpu.memory_space<hbm>> -> memref<20000x64xf32, #tpu.memory_space<hbm>>
        tpu.enqueue_indirect_dma source(%dma_start3A_64 : memref<20000x64xf32, #tpu.memory_space<hbm>>) target(%arg12 : memref<128x64xf32, #tpu.memory_space<vmem>>) offsets(%dma_start3A_61 : memref<128xi32, #tpu.memory_space<vmem>>) semaphore(%arg17 : memref<!tpu.dma_semaphore, #tpu.memory_space<semaphore_mem>>)
      } else {
      }
      %dma_wait3A_39 = arith.constant 0 : i32
      %dma_wait3A_40 = tpu.memref_slice %arg10[%add3A_25, %dma_wait3A_39] : memref<158x128xi32, #tpu.memory_space<vmem>> -> memref<1x128xi32, #tpu.memory_space<vmem>>
      %dma_wait3A_41 = tpu.memref_squeeze %dma_wait3A_40 : memref<1x128xi32, #tpu.memory_space<vmem>> -> memref<128xi32, #tpu.memory_space<vmem>>
      %dma_wait3A_42 = arith.constant 0 : i32
      %dma_wait3A_43 = arith.constant 0 : i32
      %dma_wait3A_44 = tpu.memref_slice %arg2[%dma_wait3A_42, %dma_wait3A_43] : memref<20000x64xf32, #tpu.memory_space<hbm>> -> memref<20000x64xf32, #tpu.memory_space<hbm>>
      tpu.wait_indirect_dma semaphore(%arg18 : memref<!tpu.dma_semaphore, #tpu.memory_space<semaphore_mem>>) src(%dma_wait3A_44 : memref<20000x64xf32, #tpu.memory_space<hbm>>) dst(%arg13 : memref<128x64xf32, #tpu.memory_space<vmem>>)
      "tpu.region"() ({
        %run_scoped3A = tpu.sem_alloc : memref<!tpu.dma_semaphore, #tpu.memory_space<semaphore_mem>>
        %dma_start3A_57 = arith.constant 0 : i32
        %dma_start3A_58 = tpu.memref_slice %arg11[%add3A_25, %dma_start3A_57] : memref<158x128xi32, #tpu.memory_space<vmem>> -> memref<1x128xi32, #tpu.memory_space<vmem>>
        %dma_start3A_59 = tpu.memref_squeeze %dma_start3A_58 : memref<1x128xi32, #tpu.memory_space<vmem>> -> memref<128xi32, #tpu.memory_space<vmem>>
        %dma_start3A_60 = arith.constant 0 : i32
        %dma_start3A_61 = arith.constant 0 : i32
        %dma_start3A_62 = tpu.memref_slice %arg15[%dma_start3A_60, %dma_start3A_61] : memref<10112x64xf32, #tpu.memory_space<vmem_shared>> -> memref<10112x64xf32, #tpu.memory_space<vmem_shared>>
        tpu.enqueue_indirect_dma source(%arg13 : memref<128x64xf32, #tpu.memory_space<vmem>>) target(%dma_start3A_62 : memref<10112x64xf32, #tpu.memory_space<vmem_shared>>) offsets(%dma_start3A_59 : memref<128xi32, #tpu.memory_space<vmem>>) semaphore(%run_scoped3A : memref<!tpu.dma_semaphore, #tpu.memory_space<semaphore_mem>>) {add = true}
        %dma_wait3A_63 = arith.constant 0 : i32
        %dma_wait3A_64 = tpu.memref_slice %arg11[%add3A_25, %dma_wait3A_63] : memref<158x128xi32, #tpu.memory_space<vmem>> -> memref<1x128xi32, #tpu.memory_space<vmem>>
        %dma_wait3A_65 = tpu.memref_squeeze %dma_wait3A_64 : memref<1x128xi32, #tpu.memory_space<vmem>> -> memref<128xi32, #tpu.memory_space<vmem>>
        %dma_wait3A_66 = arith.constant 0 : i32
        %dma_wait3A_67 = arith.constant 0 : i32
        %dma_wait3A_68 = tpu.memref_slice %arg15[%dma_wait3A_66, %dma_wait3A_67] : memref<10112x64xf32, #tpu.memory_space<vmem_shared>> -> memref<10112x64xf32, #tpu.memory_space<vmem_shared>>
        tpu.wait_indirect_dma semaphore(%run_scoped3A : memref<!tpu.dma_semaphore, #tpu.memory_space<semaphore_mem>>) src(%arg13 : memref<128x64xf32, #tpu.memory_space<vmem>>) dst(%dma_wait3A_68 : memref<10112x64xf32, #tpu.memory_space<vmem_shared>>)
        tpu.yield
      }) : () -> ()
      %eq3A_45 = arith.constant 1 : i32
      %eq3A_46 = arith.cmpi eq, %arg0, %eq3A_45 : i32
      %convert_element_type3A_47 = arith.extui %eq3A_46 : i1 to i32
      %cond3A_48 = arith.constant 0 : i32
      %cond3A_49 = arith.cmpi ne, %convert_element_type3A_47, %cond3A_48 : i32
      scf.if %cond3A_49 {
        "tpu.region"() ({
          %run_scoped3A = tpu.sem_alloc : memref<!tpu.dma_semaphore, #tpu.memory_space<semaphore_mem>>
          %dma_start3A_57 = arith.constant 0 : i32
          %dma_start3A_58 = tpu.memref_slice %arg11[%add3A_25, %dma_start3A_57] : memref<158x128xi32, #tpu.memory_space<vmem>> -> memref<1x128xi32, #tpu.memory_space<vmem>>
          %dma_start3A_59 = tpu.memref_squeeze %dma_start3A_58 : memref<1x128xi32, #tpu.memory_space<vmem>> -> memref<128xi32, #tpu.memory_space<vmem>>
          %dma_start3A_60 = arith.constant 0 : i32
          %dma_start3A_61 = arith.constant 0 : i32
          %dma_start3A_62 = tpu.memref_slice %arg16[%dma_start3A_60, %dma_start3A_61] : memref<10112x16xf32, #tpu.memory_space<vmem_shared>> -> memref<10112x16xf32, #tpu.memory_space<vmem_shared>>
          tpu.enqueue_indirect_dma source(%arg14 : memref<128x16xf32, #tpu.memory_space<vmem>>) target(%dma_start3A_62 : memref<10112x16xf32, #tpu.memory_space<vmem_shared>>) offsets(%dma_start3A_59 : memref<128xi32, #tpu.memory_space<vmem>>) semaphore(%run_scoped3A : memref<!tpu.dma_semaphore, #tpu.memory_space<semaphore_mem>>) {add = true}
          %dma_wait3A_63 = arith.constant 0 : i32
          %dma_wait3A_64 = tpu.memref_slice %arg11[%add3A_25, %dma_wait3A_63] : memref<158x128xi32, #tpu.memory_space<vmem>> -> memref<1x128xi32, #tpu.memory_space<vmem>>
          %dma_wait3A_65 = tpu.memref_squeeze %dma_wait3A_64 : memref<1x128xi32, #tpu.memory_space<vmem>> -> memref<128xi32, #tpu.memory_space<vmem>>
          %dma_wait3A_66 = arith.constant 0 : i32
          %dma_wait3A_67 = arith.constant 0 : i32
          %dma_wait3A_68 = tpu.memref_slice %arg16[%dma_wait3A_66, %dma_wait3A_67] : memref<10112x16xf32, #tpu.memory_space<vmem_shared>> -> memref<10112x16xf32, #tpu.memory_space<vmem_shared>>
          tpu.wait_indirect_dma semaphore(%run_scoped3A : memref<!tpu.dma_semaphore, #tpu.memory_space<semaphore_mem>>) src(%arg14 : memref<128x16xf32, #tpu.memory_space<vmem>>) dst(%dma_wait3A_68 : memref<10112x16xf32, #tpu.memory_space<vmem_shared>>)
          tpu.yield
        }) : () -> ()
      } else {
      }
      %add3A_50 = arith.constant 1 : i32
      %add3A_51 = arith.addi %scan3A_22, %add3A_50 : i32
      %lt3A_52 = arith.constant 79 : i32
      %lt3A_53 = arith.cmpi slt, %add3A_51, %lt3A_52 : i32
      %convert_element_type3A_54 = arith.extui %lt3A_53 : i1 to i32
      %cond3A_55 = arith.constant 0 : i32
      %cond3A_56 = arith.cmpi ne, %convert_element_type3A_54, %cond3A_55 : i32
      scf.if %cond3A_56 {
        %add3A_57 = arith.constant 2 : i32
        %add3A_58 = arith.addi %add3A_25, %add3A_57 : i32
        %dma_start3A_59 = arith.constant 0 : i32
        %dma_start3A_60 = tpu.memref_slice %arg10[%add3A_58, %dma_start3A_59] : memref<158x128xi32, #tpu.memory_space<vmem>> -> memref<1x128xi32, #tpu.memory_space<vmem>>
        %dma_start3A_61 = tpu.memref_squeeze %dma_start3A_60 : memref<1x128xi32, #tpu.memory_space<vmem>> -> memref<128xi32, #tpu.memory_space<vmem>>
        %dma_start3A_62 = arith.constant 0 : i32
        %dma_start3A_63 = arith.constant 0 : i32
        %dma_start3A_64 = tpu.memref_slice %arg2[%dma_start3A_62, %dma_start3A_63] : memref<20000x64xf32, #tpu.memory_space<hbm>> -> memref<20000x64xf32, #tpu.memory_space<hbm>>
        tpu.enqueue_indirect_dma source(%dma_start3A_64 : memref<20000x64xf32, #tpu.memory_space<hbm>>) target(%arg13 : memref<128x64xf32, #tpu.memory_space<vmem>>) offsets(%dma_start3A_61 : memref<128xi32, #tpu.memory_space<vmem>>) semaphore(%arg18 : memref<!tpu.dma_semaphore, #tpu.memory_space<semaphore_mem>>)
      } else {
      }
    }
    %scan3A_18 = arith.constant 79 : i32
    %barrier3A_19 = arith.constant 0 : index
    tpu.barrier barrier_id(%barrier3A_19)
    %mul3A_20 = arith.constant 632 : i32
    %mul3A_21 = arith.muli %arg1, %mul3A_20 : i32
    "tpu.region"() ({
      %run_scoped3A = tpu.sem_alloc : memref<!tpu.dma_semaphore, #tpu.memory_space<semaphore_mem>>
      %dma_start3A_22 = arith.constant 0 : i32
      %dma_start3A_23 = tpu.memref_slice %arg8[%arg0, %mul3A_21, %dma_start3A_22] : memref<2x10112x64xf32, #tpu.memory_space<hbm>> -> memref<1x632x64xf32, #tpu.memory_space<hbm>>
      %dma_start3A_24 = tpu.memref_squeeze %dma_start3A_23 : memref<1x632x64xf32, #tpu.memory_space<hbm>> -> memref<632x64xf32, #tpu.memory_space<hbm>>
      %dma_start3A_25 = arith.constant 0 : i32
      %dma_start3A_26 = tpu.memref_slice %arg15[%mul3A_21, %dma_start3A_25] : memref<10112x64xf32, #tpu.memory_space<vmem_shared>> -> memref<632x64xf32, #tpu.memory_space<vmem_shared>>
      tpu.enqueue_dma source(%dma_start3A_26 : memref<632x64xf32, #tpu.memory_space<vmem_shared>>) target(%dma_start3A_24 : memref<632x64xf32, #tpu.memory_space<hbm>>) target_semaphore(%run_scoped3A : memref<!tpu.dma_semaphore, #tpu.memory_space<semaphore_mem>>)
      %dma_wait3A = arith.constant 0 : i32
      %dma_wait3A_27 = tpu.memref_slice %arg8[%arg0, %mul3A_21, %dma_wait3A] : memref<2x10112x64xf32, #tpu.memory_space<hbm>> -> memref<1x632x64xf32, #tpu.memory_space<hbm>>
      %dma_wait3A_28 = tpu.memref_squeeze %dma_wait3A_27 : memref<1x632x64xf32, #tpu.memory_space<hbm>> -> memref<632x64xf32, #tpu.memory_space<hbm>>
      %dma_wait3A_29 = arith.constant 0 : i32
      %dma_wait3A_30 = tpu.memref_slice %arg15[%mul3A_21, %dma_wait3A_29] : memref<10112x64xf32, #tpu.memory_space<vmem_shared>> -> memref<632x64xf32, #tpu.memory_space<vmem_shared>>
      tpu.wait_dma2 semaphore(%run_scoped3A : memref<!tpu.dma_semaphore, #tpu.memory_space<semaphore_mem>>) src(%dma_wait3A_30 : memref<632x64xf32, #tpu.memory_space<vmem_shared>>) dst(%dma_wait3A_28 : memref<632x64xf32, #tpu.memory_space<hbm>>)
      tpu.yield
    }) : () -> ()
    "tpu.region"() ({
      %run_scoped3A = tpu.sem_alloc : memref<!tpu.dma_semaphore, #tpu.memory_space<semaphore_mem>>
      %dma_start3A_22 = arith.constant 0 : i32
      %dma_start3A_23 = tpu.memref_slice %arg9[%arg0, %mul3A_21, %dma_start3A_22] : memref<2x10112x16xf32, #tpu.memory_space<hbm>> -> memref<1x632x16xf32, #tpu.memory_space<hbm>>
      %dma_start3A_24 = tpu.memref_squeeze %dma_start3A_23 : memref<1x632x16xf32, #tpu.memory_space<hbm>> -> memref<632x16xf32, #tpu.memory_space<hbm>>
      %dma_start3A_25 = arith.constant 0 : i32
      %dma_start3A_26 = tpu.memref_slice %arg16[%mul3A_21, %dma_start3A_25] : memref<10112x16xf32, #tpu.memory_space<vmem_shared>> -> memref<632x16xf32, #tpu.memory_space<vmem_shared>>
      tpu.enqueue_dma source(%dma_start3A_26 : memref<632x16xf32, #tpu.memory_space<vmem_shared>>) target(%dma_start3A_24 : memref<632x16xf32, #tpu.memory_space<hbm>>) target_semaphore(%run_scoped3A : memref<!tpu.dma_semaphore, #tpu.memory_space<semaphore_mem>>)
      %dma_wait3A = arith.constant 0 : i32
      %dma_wait3A_27 = tpu.memref_slice %arg9[%arg0, %mul3A_21, %dma_wait3A] : memref<2x10112x16xf32, #tpu.memory_space<hbm>> -> memref<1x632x16xf32, #tpu.memory_space<hbm>>
      %dma_wait3A_28 = tpu.memref_squeeze %dma_wait3A_27 : memref<1x632x16xf32, #tpu.memory_space<hbm>> -> memref<632x16xf32, #tpu.memory_space<hbm>>
      %dma_wait3A_29 = arith.constant 0 : i32
      %dma_wait3A_30 = tpu.memref_slice %arg16[%mul3A_21, %dma_wait3A_29] : memref<10112x16xf32, #tpu.memory_space<vmem_shared>> -> memref<632x16xf32, #tpu.memory_space<vmem_shared>>
      tpu.wait_dma2 semaphore(%run_scoped3A : memref<!tpu.dma_semaphore, #tpu.memory_space<semaphore_mem>>) src(%dma_wait3A_30 : memref<632x16xf32, #tpu.memory_space<vmem_shared>>) dst(%dma_wait3A_28 : memref<632x16xf32, #tpu.memory_space<hbm>>)
      tpu.yield
    }) : () -> ()
    return
  }
}

#map = affine_map<(d0, d1) -> (0, 0)>
#map1 = affine_map<(d0, d1) -> (0, 0, 0)>
module attributes {stable_mosaic.version = 14 : i64} {
  func.func @_sc_l2_body(%arg0: i32, %arg1: i32, %arg2: memref<10000x16xf32, #tpu.memory_space<hbm>>, %arg3: memref<32x80x128xi32, #tpu.memory_space<hbm>>, %arg4: memref<32x80x128xi32, #tpu.memory_space<hbm>>, %arg5: memref<632x16xf32, #tpu.memory_space<hbm>>, %arg6: memref<10000x16xf32, #tpu.memory_space<hbm>>, %arg7: memref<10000x16xf32, #tpu.memory_space<hbm>>, %arg8: memref<80x128xi32, #tpu.memory_space<vmem>>, %arg9: memref<80x128xi32, #tpu.memory_space<vmem>>, %arg10: memref<128x16xf32, #tpu.memory_space<vmem>>, %arg11: memref<128x16xf32, #tpu.memory_space<vmem>>, %arg12: memref<10112x16xf32, #tpu.memory_space<vmem_shared>>, %arg13: memref<!tpu.dma_semaphore, #tpu.memory_space<semaphore_mem>>, %arg14: memref<!tpu.dma_semaphore, #tpu.memory_space<semaphore_mem>>) attributes {dimension_semantics = [#tpu.dimension_semantics<core_parallel>, #tpu.dimension_semantics<subcore_parallel>], iteration_bounds = array<i64: 2, 16>, scalar_prefetch = 0 : i64, scratch_operands = 7 : i64, tpu.core_type = #tpu.core_type<sc_vector_subcore>, window_params = [{transform_indices = #map}, {transform_indices = #map1}, {transform_indices = #map1}, {transform_indices = #map}, {transform_indices = #map}, {transform_indices = #map}]} {
    %mul3A = arith.constant 16 : i32
    %mul3A_0 = arith.muli %arg0, %mul3A : i32
    %add3A = arith.addi %mul3A_0, %arg1 : i32
    %mul3A_1 = arith.constant 632 : i32
    %mul3A_2 = arith.muli %arg1, %mul3A_1 : i32
    "tpu.region"() ({
      %run_scoped3A = tpu.sem_alloc : memref<!tpu.dma_semaphore, #tpu.memory_space<semaphore_mem>>
      %dma_start3A_31 = arith.constant 0 : i32
      %dma_start3A_32 = tpu.memref_slice %arg12[%mul3A_2, %dma_start3A_31] : memref<10112x16xf32, #tpu.memory_space<vmem_shared>> -> memref<632x16xf32, #tpu.memory_space<vmem_shared>>
      tpu.enqueue_dma source(%arg5 : memref<632x16xf32, #tpu.memory_space<hbm>>) target(%dma_start3A_32 : memref<632x16xf32, #tpu.memory_space<vmem_shared>>) target_semaphore(%run_scoped3A : memref<!tpu.dma_semaphore, #tpu.memory_space<semaphore_mem>>)
      %dma_wait3A = arith.constant 0 : i32
      %dma_wait3A_33 = tpu.memref_slice %arg12[%mul3A_2, %dma_wait3A] : memref<10112x16xf32, #tpu.memory_space<vmem_shared>> -> memref<632x16xf32, #tpu.memory_space<vmem_shared>>
      tpu.wait_dma2 semaphore(%run_scoped3A : memref<!tpu.dma_semaphore, #tpu.memory_space<semaphore_mem>>) src(%arg5 : memref<632x16xf32, #tpu.memory_space<hbm>>) dst(%dma_wait3A_33 : memref<632x16xf32, #tpu.memory_space<vmem_shared>>)
      tpu.yield
    }) : () -> ()
    "tpu.region"() ({
      %run_scoped3A = tpu.sem_alloc : memref<!tpu.dma_semaphore, #tpu.memory_space<semaphore_mem>>
      %dma_start3A_31 = arith.constant 0 : i32
      %dma_start3A_32 = arith.constant 0 : i32
      %dma_start3A_33 = tpu.memref_slice %arg3[%add3A, %dma_start3A_31, %dma_start3A_32] : memref<32x80x128xi32, #tpu.memory_space<hbm>> -> memref<1x80x128xi32, #tpu.memory_space<hbm>>
      %dma_start3A_34 = tpu.memref_squeeze %dma_start3A_33 : memref<1x80x128xi32, #tpu.memory_space<hbm>> -> memref<80x128xi32, #tpu.memory_space<hbm>>
      %dma_start3A_35 = arith.constant 0 : i32
      %dma_start3A_36 = arith.constant 0 : i32
      %dma_start3A_37 = tpu.memref_slice %arg3[%add3A, %dma_start3A_35, %dma_start3A_36] : memref<32x80x128xi32, #tpu.memory_space<hbm>> -> memref<1x80x128xi32, #tpu.memory_space<hbm>>
      %dma_start3A_38 = tpu.memref_squeeze %dma_start3A_37 : memref<1x80x128xi32, #tpu.memory_space<hbm>> -> memref<80x128xi32, #tpu.memory_space<hbm>>
      tpu.enqueue_dma source(%dma_start3A_38 : memref<80x128xi32, #tpu.memory_space<hbm>>) target(%arg8 : memref<80x128xi32, #tpu.memory_space<vmem>>) target_semaphore(%run_scoped3A : memref<!tpu.dma_semaphore, #tpu.memory_space<semaphore_mem>>)
      %dma_wait3A = arith.constant 0 : i32
      %dma_wait3A_39 = arith.constant 0 : i32
      %dma_wait3A_40 = tpu.memref_slice %arg3[%add3A, %dma_wait3A, %dma_wait3A_39] : memref<32x80x128xi32, #tpu.memory_space<hbm>> -> memref<1x80x128xi32, #tpu.memory_space<hbm>>
      %dma_wait3A_41 = tpu.memref_squeeze %dma_wait3A_40 : memref<1x80x128xi32, #tpu.memory_space<hbm>> -> memref<80x128xi32, #tpu.memory_space<hbm>>
      %dma_wait3A_42 = arith.constant 0 : i32
      %dma_wait3A_43 = arith.constant 0 : i32
      %dma_wait3A_44 = tpu.memref_slice %arg3[%add3A, %dma_wait3A_42, %dma_wait3A_43] : memref<32x80x128xi32, #tpu.memory_space<hbm>> -> memref<1x80x128xi32, #tpu.memory_space<hbm>>
      %dma_wait3A_45 = tpu.memref_squeeze %dma_wait3A_44 : memref<1x80x128xi32, #tpu.memory_space<hbm>> -> memref<80x128xi32, #tpu.memory_space<hbm>>
      tpu.wait_dma2 semaphore(%run_scoped3A : memref<!tpu.dma_semaphore, #tpu.memory_space<semaphore_mem>>) src(%dma_wait3A_45 : memref<80x128xi32, #tpu.memory_space<hbm>>) dst(%arg8 : memref<80x128xi32, #tpu.memory_space<vmem>>)
      tpu.yield
    }) : () -> ()
    "tpu.region"() ({
      %run_scoped3A = tpu.sem_alloc : memref<!tpu.dma_semaphore, #tpu.memory_space<semaphore_mem>>
      %dma_start3A_31 = arith.constant 0 : i32
      %dma_start3A_32 = arith.constant 0 : i32
      %dma_start3A_33 = tpu.memref_slice %arg4[%add3A, %dma_start3A_31, %dma_start3A_32] : memref<32x80x128xi32, #tpu.memory_space<hbm>> -> memref<1x80x128xi32, #tpu.memory_space<hbm>>
      %dma_start3A_34 = tpu.memref_squeeze %dma_start3A_33 : memref<1x80x128xi32, #tpu.memory_space<hbm>> -> memref<80x128xi32, #tpu.memory_space<hbm>>
      %dma_start3A_35 = arith.constant 0 : i32
      %dma_start3A_36 = arith.constant 0 : i32
      %dma_start3A_37 = tpu.memref_slice %arg4[%add3A, %dma_start3A_35, %dma_start3A_36] : memref<32x80x128xi32, #tpu.memory_space<hbm>> -> memref<1x80x128xi32, #tpu.memory_space<hbm>>
      %dma_start3A_38 = tpu.memref_squeeze %dma_start3A_37 : memref<1x80x128xi32, #tpu.memory_space<hbm>> -> memref<80x128xi32, #tpu.memory_space<hbm>>
      tpu.enqueue_dma source(%dma_start3A_38 : memref<80x128xi32, #tpu.memory_space<hbm>>) target(%arg9 : memref<80x128xi32, #tpu.memory_space<vmem>>) target_semaphore(%run_scoped3A : memref<!tpu.dma_semaphore, #tpu.memory_space<semaphore_mem>>)
      %dma_wait3A = arith.constant 0 : i32
      %dma_wait3A_39 = arith.constant 0 : i32
      %dma_wait3A_40 = tpu.memref_slice %arg4[%add3A, %dma_wait3A, %dma_wait3A_39] : memref<32x80x128xi32, #tpu.memory_space<hbm>> -> memref<1x80x128xi32, #tpu.memory_space<hbm>>
      %dma_wait3A_41 = tpu.memref_squeeze %dma_wait3A_40 : memref<1x80x128xi32, #tpu.memory_space<hbm>> -> memref<80x128xi32, #tpu.memory_space<hbm>>
      %dma_wait3A_42 = arith.constant 0 : i32
      %dma_wait3A_43 = arith.constant 0 : i32
      %dma_wait3A_44 = tpu.memref_slice %arg4[%add3A, %dma_wait3A_42, %dma_wait3A_43] : memref<32x80x128xi32, #tpu.memory_space<hbm>> -> memref<1x80x128xi32, #tpu.memory_space<hbm>>
      %dma_wait3A_45 = tpu.memref_squeeze %dma_wait3A_44 : memref<1x80x128xi32, #tpu.memory_space<hbm>> -> memref<80x128xi32, #tpu.memory_space<hbm>>
      tpu.wait_dma2 semaphore(%run_scoped3A : memref<!tpu.dma_semaphore, #tpu.memory_space<semaphore_mem>>) src(%dma_wait3A_45 : memref<80x128xi32, #tpu.memory_space<hbm>>) dst(%arg9 : memref<80x128xi32, #tpu.memory_space<vmem>>)
      tpu.yield
    }) : () -> ()
    %barrier3A = arith.constant 0 : index
    tpu.barrier barrier_id(%barrier3A)
    %dma_start3A = arith.constant 0 : i32
    %dma_start3A_3 = arith.constant 0 : i32
    %dma_start3A_4 = tpu.memref_slice %arg8[%dma_start3A, %dma_start3A_3] : memref<80x128xi32, #tpu.memory_space<vmem>> -> memref<1x128xi32, #tpu.memory_space<vmem>>
    %dma_start3A_5 = tpu.memref_squeeze %dma_start3A_4 : memref<1x128xi32, #tpu.memory_space<vmem>> -> memref<128xi32, #tpu.memory_space<vmem>>
    %dma_start3A_6 = arith.constant 0 : i32
    %dma_start3A_7 = arith.constant 0 : i32
    %dma_start3A_8 = tpu.memref_slice %arg2[%dma_start3A_6, %dma_start3A_7] : memref<10000x16xf32, #tpu.memory_space<hbm>> -> memref<10000x16xf32, #tpu.memory_space<hbm>>
    tpu.enqueue_indirect_dma source(%dma_start3A_8 : memref<10000x16xf32, #tpu.memory_space<hbm>>) target(%arg10 : memref<128x16xf32, #tpu.memory_space<vmem>>) offsets(%dma_start3A_5 : memref<128xi32, #tpu.memory_space<vmem>>) semaphore(%arg13 : memref<!tpu.dma_semaphore, #tpu.memory_space<semaphore_mem>>)
    %dma_start3A_9 = arith.constant 1 : i32
    %dma_start3A_10 = arith.constant 0 : i32
    %dma_start3A_11 = tpu.memref_slice %arg8[%dma_start3A_9, %dma_start3A_10] : memref<80x128xi32, #tpu.memory_space<vmem>> -> memref<1x128xi32, #tpu.memory_space<vmem>>
    %dma_start3A_12 = tpu.memref_squeeze %dma_start3A_11 : memref<1x128xi32, #tpu.memory_space<vmem>> -> memref<128xi32, #tpu.memory_space<vmem>>
    %dma_start3A_13 = arith.constant 0 : i32
    %dma_start3A_14 = arith.constant 0 : i32
    %dma_start3A_15 = tpu.memref_slice %arg2[%dma_start3A_13, %dma_start3A_14] : memref<10000x16xf32, #tpu.memory_space<hbm>> -> memref<10000x16xf32, #tpu.memory_space<hbm>>
    tpu.enqueue_indirect_dma source(%dma_start3A_15 : memref<10000x16xf32, #tpu.memory_space<hbm>>) target(%arg11 : memref<128x16xf32, #tpu.memory_space<vmem>>) offsets(%dma_start3A_12 : memref<128xi32, #tpu.memory_space<vmem>>) semaphore(%arg14 : memref<!tpu.dma_semaphore, #tpu.memory_space<semaphore_mem>>)
    %scan3A = arith.constant 0 : i32
    %scan3A_16 = arith.constant 0 : i32
    %scan3A_17 = arith.constant 40 : i32
    %scan3A_18 = arith.addi %scan3A_16, %scan3A_17 : i32
    %scan3A_19 = arith.constant 1 : i32
    scf.for %scan3A_31 = %scan3A_16 to %scan3A_18 step %scan3A_19  : i32 {
      %mul3A_32 = arith.constant 2 : i32
      %mul3A_33 = arith.muli %scan3A_31, %mul3A_32 : i32
      %add3A_34 = arith.constant 1 : i32
      %add3A_35 = arith.addi %mul3A_33, %add3A_34 : i32
      %dma_wait3A = arith.constant 0 : i32
      %dma_wait3A_36 = tpu.memref_slice %arg8[%mul3A_33, %dma_wait3A] : memref<80x128xi32, #tpu.memory_space<vmem>> -> memref<1x128xi32, #tpu.memory_space<vmem>>
      %dma_wait3A_37 = tpu.memref_squeeze %dma_wait3A_36 : memref<1x128xi32, #tpu.memory_space<vmem>> -> memref<128xi32, #tpu.memory_space<vmem>>
      %dma_wait3A_38 = arith.constant 0 : i32
      %dma_wait3A_39 = arith.constant 0 : i32
      %dma_wait3A_40 = tpu.memref_slice %arg2[%dma_wait3A_38, %dma_wait3A_39] : memref<10000x16xf32, #tpu.memory_space<hbm>> -> memref<10000x16xf32, #tpu.memory_space<hbm>>
      tpu.wait_indirect_dma semaphore(%arg13 : memref<!tpu.dma_semaphore, #tpu.memory_space<semaphore_mem>>) src(%dma_wait3A_40 : memref<10000x16xf32, #tpu.memory_space<hbm>>) dst(%arg10 : memref<128x16xf32, #tpu.memory_space<vmem>>)
      "tpu.region"() ({
        %run_scoped3A = tpu.sem_alloc : memref<!tpu.dma_semaphore, #tpu.memory_space<semaphore_mem>>
        %dma_start3A_60 = arith.constant 0 : i32
        %dma_start3A_61 = tpu.memref_slice %arg9[%mul3A_33, %dma_start3A_60] : memref<80x128xi32, #tpu.memory_space<vmem>> -> memref<1x128xi32, #tpu.memory_space<vmem>>
        %dma_start3A_62 = tpu.memref_squeeze %dma_start3A_61 : memref<1x128xi32, #tpu.memory_space<vmem>> -> memref<128xi32, #tpu.memory_space<vmem>>
        %dma_start3A_63 = arith.constant 0 : i32
        %dma_start3A_64 = arith.constant 0 : i32
        %dma_start3A_65 = tpu.memref_slice %arg12[%dma_start3A_63, %dma_start3A_64] : memref<10112x16xf32, #tpu.memory_space<vmem_shared>> -> memref<10112x16xf32, #tpu.memory_space<vmem_shared>>
        tpu.enqueue_indirect_dma source(%arg10 : memref<128x16xf32, #tpu.memory_space<vmem>>) target(%dma_start3A_65 : memref<10112x16xf32, #tpu.memory_space<vmem_shared>>) offsets(%dma_start3A_62 : memref<128xi32, #tpu.memory_space<vmem>>) semaphore(%run_scoped3A : memref<!tpu.dma_semaphore, #tpu.memory_space<semaphore_mem>>) {add = true}
        %dma_wait3A_66 = arith.constant 0 : i32
        %dma_wait3A_67 = tpu.memref_slice %arg9[%mul3A_33, %dma_wait3A_66] : memref<80x128xi32, #tpu.memory_space<vmem>> -> memref<1x128xi32, #tpu.memory_space<vmem>>
        %dma_wait3A_68 = tpu.memref_squeeze %dma_wait3A_67 : memref<1x128xi32, #tpu.memory_space<vmem>> -> memref<128xi32, #tpu.memory_space<vmem>>
        %dma_wait3A_69 = arith.constant 0 : i32
        %dma_wait3A_70 = arith.constant 0 : i32
        %dma_wait3A_71 = tpu.memref_slice %arg12[%dma_wait3A_69, %dma_wait3A_70] : memref<10112x16xf32, #tpu.memory_space<vmem_shared>> -> memref<10112x16xf32, #tpu.memory_space<vmem_shared>>
        tpu.wait_indirect_dma semaphore(%run_scoped3A : memref<!tpu.dma_semaphore, #tpu.memory_space<semaphore_mem>>) src(%arg10 : memref<128x16xf32, #tpu.memory_space<vmem>>) dst(%dma_wait3A_71 : memref<10112x16xf32, #tpu.memory_space<vmem_shared>>)
        tpu.yield
      }) : () -> ()
      %add3A_41 = arith.constant 1 : i32
      %add3A_42 = arith.addi %scan3A_31, %add3A_41 : i32
      %lt3A = arith.constant 40 : i32
      %lt3A_43 = arith.cmpi slt, %add3A_42, %lt3A : i32
      %convert_element_type3A_44 = arith.extui %lt3A_43 : i1 to i32
      %cond3A_45 = arith.constant 0 : i32
      %cond3A_46 = arith.cmpi ne, %convert_element_type3A_44, %cond3A_45 : i32
      scf.if %cond3A_46 {
        %add3A_60 = arith.constant 2 : i32
        %add3A_61 = arith.addi %mul3A_33, %add3A_60 : i32
        %dma_start3A_62 = arith.constant 0 : i32
        %dma_start3A_63 = tpu.memref_slice %arg8[%add3A_61, %dma_start3A_62] : memref<80x128xi32, #tpu.memory_space<vmem>> -> memref<1x128xi32, #tpu.memory_space<vmem>>
        %dma_start3A_64 = tpu.memref_squeeze %dma_start3A_63 : memref<1x128xi32, #tpu.memory_space<vmem>> -> memref<128xi32, #tpu.memory_space<vmem>>
        %dma_start3A_65 = arith.constant 0 : i32
        %dma_start3A_66 = arith.constant 0 : i32
        %dma_start3A_67 = tpu.memref_slice %arg2[%dma_start3A_65, %dma_start3A_66] : memref<10000x16xf32, #tpu.memory_space<hbm>> -> memref<10000x16xf32, #tpu.memory_space<hbm>>
        tpu.enqueue_indirect_dma source(%dma_start3A_67 : memref<10000x16xf32, #tpu.memory_space<hbm>>) target(%arg10 : memref<128x16xf32, #tpu.memory_space<vmem>>) offsets(%dma_start3A_64 : memref<128xi32, #tpu.memory_space<vmem>>) semaphore(%arg13 : memref<!tpu.dma_semaphore, #tpu.memory_space<semaphore_mem>>)
      } else {
      }
      %dma_wait3A_47 = arith.constant 0 : i32
      %dma_wait3A_48 = tpu.memref_slice %arg8[%add3A_35, %dma_wait3A_47] : memref<80x128xi32, #tpu.memory_space<vmem>> -> memref<1x128xi32, #tpu.memory_space<vmem>>
      %dma_wait3A_49 = tpu.memref_squeeze %dma_wait3A_48 : memref<1x128xi32, #tpu.memory_space<vmem>> -> memref<128xi32, #tpu.memory_space<vmem>>
      %dma_wait3A_50 = arith.constant 0 : i32
      %dma_wait3A_51 = arith.constant 0 : i32
      %dma_wait3A_52 = tpu.memref_slice %arg2[%dma_wait3A_50, %dma_wait3A_51] : memref<10000x16xf32, #tpu.memory_space<hbm>> -> memref<10000x16xf32, #tpu.memory_space<hbm>>
      tpu.wait_indirect_dma semaphore(%arg14 : memref<!tpu.dma_semaphore, #tpu.memory_space<semaphore_mem>>) src(%dma_wait3A_52 : memref<10000x16xf32, #tpu.memory_space<hbm>>) dst(%arg11 : memref<128x16xf32, #tpu.memory_space<vmem>>)
      "tpu.region"() ({
        %run_scoped3A = tpu.sem_alloc : memref<!tpu.dma_semaphore, #tpu.memory_space<semaphore_mem>>
        %dma_start3A_60 = arith.constant 0 : i32
        %dma_start3A_61 = tpu.memref_slice %arg9[%add3A_35, %dma_start3A_60] : memref<80x128xi32, #tpu.memory_space<vmem>> -> memref<1x128xi32, #tpu.memory_space<vmem>>
        %dma_start3A_62 = tpu.memref_squeeze %dma_start3A_61 : memref<1x128xi32, #tpu.memory_space<vmem>> -> memref<128xi32, #tpu.memory_space<vmem>>
        %dma_start3A_63 = arith.constant 0 : i32
        %dma_start3A_64 = arith.constant 0 : i32
        %dma_start3A_65 = tpu.memref_slice %arg12[%dma_start3A_63, %dma_start3A_64] : memref<10112x16xf32, #tpu.memory_space<vmem_shared>> -> memref<10112x16xf32, #tpu.memory_space<vmem_shared>>
        tpu.enqueue_indirect_dma source(%arg11 : memref<128x16xf32, #tpu.memory_space<vmem>>) target(%dma_start3A_65 : memref<10112x16xf32, #tpu.memory_space<vmem_shared>>) offsets(%dma_start3A_62 : memref<128xi32, #tpu.memory_space<vmem>>) semaphore(%run_scoped3A : memref<!tpu.dma_semaphore, #tpu.memory_space<semaphore_mem>>) {add = true}
        %dma_wait3A_66 = arith.constant 0 : i32
        %dma_wait3A_67 = tpu.memref_slice %arg9[%add3A_35, %dma_wait3A_66] : memref<80x128xi32, #tpu.memory_space<vmem>> -> memref<1x128xi32, #tpu.memory_space<vmem>>
        %dma_wait3A_68 = tpu.memref_squeeze %dma_wait3A_67 : memref<1x128xi32, #tpu.memory_space<vmem>> -> memref<128xi32, #tpu.memory_space<vmem>>
        %dma_wait3A_69 = arith.constant 0 : i32
        %dma_wait3A_70 = arith.constant 0 : i32
        %dma_wait3A_71 = tpu.memref_slice %arg12[%dma_wait3A_69, %dma_wait3A_70] : memref<10112x16xf32, #tpu.memory_space<vmem_shared>> -> memref<10112x16xf32, #tpu.memory_space<vmem_shared>>
        tpu.wait_indirect_dma semaphore(%run_scoped3A : memref<!tpu.dma_semaphore, #tpu.memory_space<semaphore_mem>>) src(%arg11 : memref<128x16xf32, #tpu.memory_space<vmem>>) dst(%dma_wait3A_71 : memref<10112x16xf32, #tpu.memory_space<vmem_shared>>)
        tpu.yield
      }) : () -> ()
      %add3A_53 = arith.constant 1 : i32
      %add3A_54 = arith.addi %scan3A_31, %add3A_53 : i32
      %lt3A_55 = arith.constant 40 : i32
      %lt3A_56 = arith.cmpi slt, %add3A_54, %lt3A_55 : i32
      %convert_element_type3A_57 = arith.extui %lt3A_56 : i1 to i32
      %cond3A_58 = arith.constant 0 : i32
      %cond3A_59 = arith.cmpi ne, %convert_element_type3A_57, %cond3A_58 : i32
      scf.if %cond3A_59 {
        %add3A_60 = arith.constant 2 : i32
        %add3A_61 = arith.addi %add3A_35, %add3A_60 : i32
        %dma_start3A_62 = arith.constant 0 : i32
        %dma_start3A_63 = tpu.memref_slice %arg8[%add3A_61, %dma_start3A_62] : memref<80x128xi32, #tpu.memory_space<vmem>> -> memref<1x128xi32, #tpu.memory_space<vmem>>
        %dma_start3A_64 = tpu.memref_squeeze %dma_start3A_63 : memref<1x128xi32, #tpu.memory_space<vmem>> -> memref<128xi32, #tpu.memory_space<vmem>>
        %dma_start3A_65 = arith.constant 0 : i32
        %dma_start3A_66 = arith.constant 0 : i32
        %dma_start3A_67 = tpu.memref_slice %arg2[%dma_start3A_65, %dma_start3A_66] : memref<10000x16xf32, #tpu.memory_space<hbm>> -> memref<10000x16xf32, #tpu.memory_space<hbm>>
        tpu.enqueue_indirect_dma source(%dma_start3A_67 : memref<10000x16xf32, #tpu.memory_space<hbm>>) target(%arg11 : memref<128x16xf32, #tpu.memory_space<vmem>>) offsets(%dma_start3A_64 : memref<128xi32, #tpu.memory_space<vmem>>) semaphore(%arg14 : memref<!tpu.dma_semaphore, #tpu.memory_space<semaphore_mem>>)
      } else {
      }
    }
    %scan3A_20 = arith.constant 40 : i32
    %barrier3A_21 = arith.constant 0 : index
    tpu.barrier barrier_id(%barrier3A_21)
    %mul3A_22 = arith.constant 625 : i32
    %mul3A_23 = arith.muli %arg1, %mul3A_22 : i32
    %eq3A = arith.constant 0 : i32
    %eq3A_24 = arith.cmpi eq, %arg0, %eq3A : i32
    %convert_element_type3A = arith.extui %eq3A_24 : i1 to i32
    %cond3A = arith.constant 0 : i32
    %cond3A_25 = arith.cmpi ne, %convert_element_type3A, %cond3A : i32
    scf.if %cond3A_25 {
      "tpu.region"() ({
        %run_scoped3A = tpu.sem_alloc : memref<!tpu.dma_semaphore, #tpu.memory_space<semaphore_mem>>
        %dma_start3A_31 = arith.constant 0 : i32
        %dma_start3A_32 = tpu.memref_slice %arg6[%mul3A_23, %dma_start3A_31] : memref<10000x16xf32, #tpu.memory_space<hbm>> -> memref<625x16xf32, #tpu.memory_space<hbm>>
        %dma_start3A_33 = arith.constant 0 : i32
        %dma_start3A_34 = tpu.memref_slice %arg12[%mul3A_23, %dma_start3A_33] : memref<10112x16xf32, #tpu.memory_space<vmem_shared>> -> memref<625x16xf32, #tpu.memory_space<vmem_shared>>
        tpu.enqueue_dma source(%dma_start3A_34 : memref<625x16xf32, #tpu.memory_space<vmem_shared>>) target(%dma_start3A_32 : memref<625x16xf32, #tpu.memory_space<hbm>>) target_semaphore(%run_scoped3A : memref<!tpu.dma_semaphore, #tpu.memory_space<semaphore_mem>>)
        %dma_wait3A = arith.constant 0 : i32
        %dma_wait3A_35 = tpu.memref_slice %arg6[%mul3A_23, %dma_wait3A] : memref<10000x16xf32, #tpu.memory_space<hbm>> -> memref<625x16xf32, #tpu.memory_space<hbm>>
        %dma_wait3A_36 = arith.constant 0 : i32
        %dma_wait3A_37 = tpu.memref_slice %arg12[%mul3A_23, %dma_wait3A_36] : memref<10112x16xf32, #tpu.memory_space<vmem_shared>> -> memref<625x16xf32, #tpu.memory_space<vmem_shared>>
        tpu.wait_dma2 semaphore(%run_scoped3A : memref<!tpu.dma_semaphore, #tpu.memory_space<semaphore_mem>>) src(%dma_wait3A_37 : memref<625x16xf32, #tpu.memory_space<vmem_shared>>) dst(%dma_wait3A_35 : memref<625x16xf32, #tpu.memory_space<hbm>>)
        tpu.yield
      }) : () -> ()
    } else {
    }
    %eq3A_26 = arith.constant 1 : i32
    %eq3A_27 = arith.cmpi eq, %arg0, %eq3A_26 : i32
    %convert_element_type3A_28 = arith.extui %eq3A_27 : i1 to i32
    %cond3A_29 = arith.constant 0 : i32
    %cond3A_30 = arith.cmpi ne, %convert_element_type3A_28, %cond3A_29 : i32
    scf.if %cond3A_30 {
      "tpu.region"() ({
        %run_scoped3A = tpu.sem_alloc : memref<!tpu.dma_semaphore, #tpu.memory_space<semaphore_mem>>
        %dma_start3A_31 = arith.constant 0 : i32
        %dma_start3A_32 = tpu.memref_slice %arg7[%mul3A_23, %dma_start3A_31] : memref<10000x16xf32, #tpu.memory_space<hbm>> -> memref<625x16xf32, #tpu.memory_space<hbm>>
        %dma_start3A_33 = arith.constant 0 : i32
        %dma_start3A_34 = tpu.memref_slice %arg12[%mul3A_23, %dma_start3A_33] : memref<10112x16xf32, #tpu.memory_space<vmem_shared>> -> memref<625x16xf32, #tpu.memory_space<vmem_shared>>
        tpu.enqueue_dma source(%dma_start3A_34 : memref<625x16xf32, #tpu.memory_space<vmem_shared>>) target(%dma_start3A_32 : memref<625x16xf32, #tpu.memory_space<hbm>>) target_semaphore(%run_scoped3A : memref<!tpu.dma_semaphore, #tpu.memory_space<semaphore_mem>>)
        %dma_wait3A = arith.constant 0 : i32
        %dma_wait3A_35 = tpu.memref_slice %arg7[%mul3A_23, %dma_wait3A] : memref<10000x16xf32, #tpu.memory_space<hbm>> -> memref<625x16xf32, #tpu.memory_space<hbm>>
        %dma_wait3A_36 = arith.constant 0 : i32
        %dma_wait3A_37 = tpu.memref_slice %arg12[%mul3A_23, %dma_wait3A_36] : memref<10112x16xf32, #tpu.memory_space<vmem_shared>> -> memref<625x16xf32, #tpu.memory_space<vmem_shared>>
        tpu.wait_dma2 semaphore(%run_scoped3A : memref<!tpu.dma_semaphore, #tpu.memory_space<semaphore_mem>>) src(%dma_wait3A_37 : memref<625x16xf32, #tpu.memory_space<vmem_shared>>) dst(%dma_wait3A_35 : memref<625x16xf32, #tpu.memory_space<hbm>>)
        tpu.yield
      }) : () -> ()
    } else {
    }
    return
  }
}

module attributes {stable_mosaic.version = 14 : i64} {
  func.func @_phase_a(%arg0: i32, %arg1: memref<2000x128xf32, #tpu.memory_space<vmem>>, %arg2: memref<128x128xf32, #tpu.memory_space<vmem>>, %arg3: memref<1x128xf32, #tpu.memory_space<vmem>>, %arg4: memref<2000x128xf32, #tpu.memory_space<vmem>>) attributes {dimension_semantics = [#tpu.dimension_semantics<arbitrary>], iteration_bounds = array<i64: 5>, scalar_prefetch = 0 : i64, scratch_operands = 0 : i64, tpu.core_type = #tpu.core_type<tc>, window_params = [{transform_indices = @transform_0, window_bounds = array<i64: 2000, 128>}, {pipeline_mode = #tpu.pipeline_mode<synchronous>, transform_indices = @transform_1, window_bounds = array<i64: 128, 128>}, {pipeline_mode = #tpu.pipeline_mode<synchronous>, transform_indices = @transform_2, window_bounds = array<i64: 1, 128>}, {transform_indices = @transform_3, window_bounds = array<i64: 2000, 128>}]} {
    %get3A = arith.constant 0 : index
    %get3A_0 = arith.constant 0 : index
    %get3A_1 = vector.load %arg1[%get3A, %get3A_0] : memref<2000x128xf32, #tpu.memory_space<vmem>>, vector<2000x128xf32>
    %get3A_2 = arith.constant 0 : index
    %get3A_3 = arith.constant 0 : index
    %get3A_4 = vector.load %arg2[%get3A_2, %get3A_3] : memref<128x128xf32, #tpu.memory_space<vmem>>, vector<128x128xf32>
    %dot_general3A = arith.constant dense<0.000000e+00> : vector<2000x128xf32>
    %dot_general3A_5 = tpu.matmul %get3A_1, %get3A_4, %dot_general3A {dimension_numbers = #tpu.dot_dimension_numbers<[1], [0], [0], [1], [0, 0, 1, 1], [], []>, transpose_lhs_hint = false} : vector<2000x128xf32>, vector<128x128xf32>, vector<2000x128xf32> -> vector<2000x128xf32>
    %get3A_6 = arith.constant 0 : index
    %get3A_7 = arith.constant 0 : index
    %get3A_8 = vector.load %arg3[%get3A_6, %get3A_7] : memref<1x128xf32, #tpu.memory_space<vmem>>, vector<1x128xf32>
    %add3A = vector.broadcast %get3A_8 : vector<1x128xf32> to vector<2000x128xf32>
    %add3A_9 = arith.addf %dot_general3A_5, %add3A : vector<2000x128xf32>
    %swap3A = arith.constant 0 : index
    %swap3A_10 = arith.constant 0 : index
    %swap3A_11 = vector.load %arg4[%swap3A, %swap3A_10] : memref<2000x128xf32, #tpu.memory_space<vmem>>, vector<2000x128xf32>
    tpu.vector_store %arg4[%swap3A, %swap3A_10], %add3A_9 {strides = array<i32>} : memref<2000x128xf32, #tpu.memory_space<vmem>>, vector<2000x128xf32>,
    return
  }
  func.func @transform_0(%arg0: i32) -> (i32, i32) {
    %c0_i32 = arith.constant 0 : i32
    %c0_i32_0 = arith.constant 0 : i32
    return %arg0, %c0_i32 : i32, i32
  }
  func.func @transform_1(%arg0: i32) -> (i32, i32) {
    %c0_i32 = arith.constant 0 : i32
    %c0_i32_0 = arith.constant 0 : i32
    %c0_i32_1 = arith.constant 0 : i32
    return %c0_i32, %c0_i32_0 : i32, i32
  }
  func.func @transform_2(%arg0: i32) -> (i32, i32) {
    %c0_i32 = arith.constant 0 : i32
    %c0_i32_0 = arith.constant 0 : i32
    %c0_i32_1 = arith.constant 0 : i32
    return %c0_i32, %c0_i32_0 : i32, i32
  }
  func.func @transform_3(%arg0: i32) -> (i32, i32) {
    %c0_i32 = arith.constant 0 : i32
    %c0_i32_0 = arith.constant 0 : i32
    return %arg0, %c0_i32 : i32, i32
  }
}

module attributes {stable_mosaic.version = 14 : i64} {
  func.func @_phase_c(%arg0: i32, %arg1: memref<2000x128xf32, #tpu.memory_space<vmem>>, %arg2: memref<2000x64xf32, #tpu.memory_space<vmem>>, %arg3: memref<2000x64xf32, #tpu.memory_space<vmem>>, %arg4: memref<2000x16xf32, #tpu.memory_space<vmem>>, %arg5: memref<2000x16xf32, #tpu.memory_space<vmem>>, %arg6: memref<2000x128xf32, #tpu.memory_space<vmem>>, %arg7: memref<128x128xf32, #tpu.memory_space<vmem>>, %arg8: memref<128x16xf32, #tpu.memory_space<vmem>>, %arg9: memref<128x16xf32, #tpu.memory_space<vmem>>, %arg10: memref<1x16xf32, #tpu.memory_space<vmem>>, %arg11: memref<2000x16xf32, #tpu.memory_space<vmem>>, %arg12: memref<2000x16xf32, #tpu.memory_space<vmem>>, %arg13: memref<2000x16xf32, #tpu.memory_space<vmem>>) attributes {dimension_semantics = [#tpu.dimension_semantics<arbitrary>], iteration_bounds = array<i64: 5>, scalar_prefetch = 0 : i64, scratch_operands = 0 : i64, tpu.core_type = #tpu.core_type<tc>, window_params = [{transform_indices = @transform_0, window_bounds = array<i64: 2000, 128>}, {transform_indices = @transform_1, window_bounds = array<i64: 2000, 64>}, {transform_indices = @transform_2, window_bounds = array<i64: 2000, 64>}, {transform_indices = @transform_3, window_bounds = array<i64: 2000, 16>}, {transform_indices = @transform_4, window_bounds = array<i64: 2000, 16>}, {transform_indices = @transform_5, window_bounds = array<i64: 2000, 128>}, {pipeline_mode = #tpu.pipeline_mode<synchronous>, transform_indices = @transform_6, window_bounds = array<i64: 128, 128>}, {pipeline_mode = #tpu.pipeline_mode<synchronous>, transform_indices = @transform_7, window_bounds = array<i64: 128, 16>}, {pipeline_mode = #tpu.pipeline_mode<synchronous>, transform_indices = @transform_8, window_bounds = array<i64: 128, 16>}, {pipeline_mode = #tpu.pipeline_mode<synchronous>, transform_indices = @transform_9, window_bounds = array<i64: 1, 16>}, {transform_indices = @transform_10, window_bounds = array<i64: 2000, 16>}, {transform_indices = @transform_11, window_bounds = array<i64: 2000, 16>}, {transform_indices = @transform_12, window_bounds = array<i64: 2000, 16>}]} {
    %get3A = arith.constant 0 : index
    %get3A_0 = arith.constant 0 : index
    %get3A_1 = vector.load %arg4[%get3A, %get3A_0] : memref<2000x16xf32, #tpu.memory_space<vmem>>, vector<2000x1xf32>
    %add3A = arith.constant 1.000000e+00 : f32
    %add3A_2 = vector.broadcast %add3A : f32 to vector<2000x1xf32>
    %add3A_3 = arith.addf %add3A_2, %get3A_1 : vector<2000x1xf32>
    %get3A_4 = arith.constant 0 : index
    %get3A_5 = arith.constant 0 : index
    %get3A_6 = vector.load %arg5[%get3A_4, %get3A_5] : memref<2000x16xf32, #tpu.memory_space<vmem>>, vector<2000x1xf32>
    %add3A_7 = arith.addf %add3A_3, %get3A_6 : vector<2000x1xf32>
    %max3A = arith.constant 1.000000e+00 : f32
    %max3A_8 = vector.broadcast %max3A : f32 to vector<2000x1xf32>
    %max3A_9 = arith.maximumf %add3A_7, %max3A_8 : vector<2000x1xf32>
    %div3A = arith.constant 1.000000e+00 : f32
    %div3A_10 = vector.broadcast %div3A : f32 to vector<2000x1xf32>
    %div3A_11 = arith.divf %div3A_10, %max3A_9 : vector<2000x1xf32>
    %get3A_12 = arith.constant 0 : index
    %get3A_13 = arith.constant 0 : index
    %get3A_14 = vector.load %arg1[%get3A_12, %get3A_13] : memref<2000x128xf32, #tpu.memory_space<vmem>>, vector<2000x128xf32>
    %get3A_15 = arith.constant 0 : index
    %get3A_16 = arith.constant 0 : index
    %get3A_17 = vector.load %arg2[%get3A_15, %get3A_16] : memref<2000x64xf32, #tpu.memory_space<vmem>>, vector<2000x64xf32>
    %get3A_18 = arith.constant 0 : index
    %get3A_19 = arith.constant 0 : index
    %get3A_20 = vector.load %arg3[%get3A_18, %get3A_19] : memref<2000x64xf32, #tpu.memory_space<vmem>>, vector<2000x64xf32>
    %concatenate3A = tpu.concatenate %get3A_17, %get3A_20 in 1 : vector<2000x64xf32>, vector<2000x64xf32> -> vector<2000x128xf32>
    %add3A_21 = arith.addf %get3A_14, %concatenate3A : vector<2000x128xf32>
    %mul3A = vector.broadcast %div3A_11 : vector<2000x1xf32> to vector<2000x128xf32>
    %mul3A_22 = arith.mulf %add3A_21, %mul3A : vector<2000x128xf32>
    %get3A_23 = arith.constant 0 : index
    %get3A_24 = arith.constant 0 : index
    %get3A_25 = vector.load %arg7[%get3A_23, %get3A_24] : memref<128x128xf32, #tpu.memory_space<vmem>>, vector<128x128xf32>
    %dot_general3A = arith.constant dense<0.000000e+00> : vector<2000x128xf32>
    %dot_general3A_26 = tpu.matmul %mul3A_22, %get3A_25, %dot_general3A {dimension_numbers = #tpu.dot_dimension_numbers<[1], [0], [0], [1], [0, 0, 1, 1], [], []>, transpose_lhs_hint = false} : vector<2000x128xf32>, vector<128x128xf32>, vector<2000x128xf32> -> vector<2000x128xf32>
    %get3A_27 = arith.constant 0 : index
    %get3A_28 = arith.constant 0 : index
    %get3A_29 = vector.load %arg6[%get3A_27, %get3A_28] : memref<2000x128xf32, #tpu.memory_space<vmem>>, vector<2000x128xf32>
    %add3A_30 = arith.addf %dot_general3A_26, %get3A_29 : vector<2000x128xf32>
    %max3A_31 = arith.constant 0.000000e+00 : f32
    %max3A_32 = vector.broadcast %max3A_31 : f32 to vector<2000x128xf32>
    %max3A_33 = arith.maximumf %add3A_30, %max3A_32 : vector<2000x128xf32>
    %get3A_34 = arith.constant 0 : index
    %get3A_35 = arith.constant 0 : index
    %get3A_36 = vector.load %arg8[%get3A_34, %get3A_35] : memref<128x16xf32, #tpu.memory_space<vmem>>, vector<128x16xf32>
    %dot_general3A_37 = arith.constant dense<0.000000e+00> : vector<2000x16xf32>
    %dot_general3A_38 = tpu.matmul %max3A_33, %get3A_36, %dot_general3A_37 {dimension_numbers = #tpu.dot_dimension_numbers<[1], [0], [0], [1], [0, 0, 1, 1], [], []>, transpose_lhs_hint = false} : vector<2000x128xf32>, vector<128x16xf32>, vector<2000x16xf32> -> vector<2000x16xf32>
    %swap3A = arith.constant 0 : index
    %swap3A_39 = arith.constant 0 : index
    %swap3A_40 = vector.load %arg11[%swap3A, %swap3A_39] : memref<2000x16xf32, #tpu.memory_space<vmem>>, vector<2000x16xf32>
    tpu.vector_store %arg11[%swap3A, %swap3A_39], %dot_general3A_38 {strides = array<i32>} : memref<2000x16xf32, #tpu.memory_space<vmem>>, vector<2000x16xf32>,
    %get3A_41 = arith.constant 0 : index
    %get3A_42 = arith.constant 0 : index
    %get3A_43 = vector.load %arg9[%get3A_41, %get3A_42] : memref<128x16xf32, #tpu.memory_space<vmem>>, vector<128x16xf32>
    %dot_general3A_44 = arith.constant dense<0.000000e+00> : vector<2000x16xf32>
    %dot_general3A_45 = tpu.matmul %max3A_33, %get3A_43, %dot_general3A_44 {dimension_numbers = #tpu.dot_dimension_numbers<[1], [0], [0], [1], [0, 0, 1, 1], [], []>, transpose_lhs_hint = false} : vector<2000x128xf32>, vector<128x16xf32>, vector<2000x16xf32> -> vector<2000x16xf32>
    %get3A_46 = arith.constant 0 : index
    %get3A_47 = arith.constant 0 : index
    %get3A_48 = vector.load %arg10[%get3A_46, %get3A_47] : memref<1x16xf32, #tpu.memory_space<vmem>>, vector<1x16xf32>
    %add3A_49 = vector.broadcast %get3A_48 : vector<1x16xf32> to vector<2000x16xf32>
    %add3A_50 = arith.addf %dot_general3A_45, %add3A_49 : vector<2000x16xf32>
    %swap3A_51 = arith.constant 0 : index
    %swap3A_52 = arith.constant 0 : index
    %swap3A_53 = vector.load %arg12[%swap3A_51, %swap3A_52] : memref<2000x16xf32, #tpu.memory_space<vmem>>, vector<2000x16xf32>
    tpu.vector_store %arg12[%swap3A_51, %swap3A_52], %add3A_50 {strides = array<i32>} : memref<2000x16xf32, #tpu.memory_space<vmem>>, vector<2000x16xf32>,
    %broadcast_in_dim3A = vector.shape_cast %div3A_11 : vector<2000x1xf32> to vector<2000x1xf32>
    %broadcast_in_dim3A_54 = vector.broadcast %broadcast_in_dim3A : vector<2000x1xf32> to vector<2000x16xf32>
    %swap3A_55 = arith.constant 0 : index
    %swap3A_56 = arith.constant 0 : index
    %swap3A_57 = vector.load %arg13[%swap3A_55, %swap3A_56] : memref<2000x16xf32, #tpu.memory_space<vmem>>, vector<2000x16xf32>
    tpu.vector_store %arg13[%swap3A_55, %swap3A_56], %broadcast_in_dim3A_54 {strides = array<i32>} : memref<2000x16xf32, #tpu.memory_space<vmem>>, vector<2000x16xf32>,
    return
  }
  func.func @transform_0(%arg0: i32) -> (i32, i32) {
    %c0_i32 = arith.constant 0 : i32
    %c0_i32_0 = arith.constant 0 : i32
    return %arg0, %c0_i32 : i32, i32
  }
  func.func @transform_1(%arg0: i32) -> (i32, i32) {
    %c0_i32 = arith.constant 0 : i32
    %c0_i32_0 = arith.constant 0 : i32
    return %arg0, %c0_i32 : i32, i32
  }
  func.func @transform_2(%arg0: i32) -> (i32, i32) {
    %c0_i32 = arith.constant 0 : i32
    %c0_i32_0 = arith.constant 0 : i32
    return %arg0, %c0_i32 : i32, i32
  }
  func.func @transform_3(%arg0: i32) -> (i32, i32) {
    %c0_i32 = arith.constant 0 : i32
    %c0_i32_0 = arith.constant 0 : i32
    return %arg0, %c0_i32 : i32, i32
  }
  func.func @transform_4(%arg0: i32) -> (i32, i32) {
    %c0_i32 = arith.constant 0 : i32
    %c0_i32_0 = arith.constant 0 : i32
    return %arg0, %c0_i32 : i32, i32
  }
  func.func @transform_5(%arg0: i32) -> (i32, i32) {
    %c0_i32 = arith.constant 0 : i32
    %c0_i32_0 = arith.constant 0 : i32
    return %arg0, %c0_i32 : i32, i32
  }
  func.func @transform_6(%arg0: i32) -> (i32, i32) {
    %c0_i32 = arith.constant 0 : i32
    %c0_i32_0 = arith.constant 0 : i32
    %c0_i32_1 = arith.constant 0 : i32
    return %c0_i32, %c0_i32_0 : i32, i32
  }
  func.func @transform_7(%arg0: i32) -> (i32, i32) {
    %c0_i32 = arith.constant 0 : i32
    %c0_i32_0 = arith.constant 0 : i32
    %c0_i32_1 = arith.constant 0 : i32
    return %c0_i32, %c0_i32_0 : i32, i32
  }
  func.func @transform_8(%arg0: i32) -> (i32, i32) {
    %c0_i32 = arith.constant 0 : i32
    %c0_i32_0 = arith.constant 0 : i32
    %c0_i32_1 = arith.constant 0 : i32
    return %c0_i32, %c0_i32_0 : i32, i32
  }
  func.func @transform_9(%arg0: i32) -> (i32, i32) {
    %c0_i32 = arith.constant 0 : i32
    %c0_i32_0 = arith.constant 0 : i32
    %c0_i32_1 = arith.constant 0 : i32
    return %c0_i32, %c0_i32_0 : i32, i32
  }
  func.func @transform_10(%arg0: i32) -> (i32, i32) {
    %c0_i32 = arith.constant 0 : i32
    %c0_i32_0 = arith.constant 0 : i32
    return %arg0, %c0_i32 : i32, i32
  }
  func.func @transform_11(%arg0: i32) -> (i32, i32) {
    %c0_i32 = arith.constant 0 : i32
    %c0_i32_0 = arith.constant 0 : i32
    return %arg0, %c0_i32 : i32, i32
  }
  func.func @transform_12(%arg0: i32) -> (i32, i32) {
    %c0_i32 = arith.constant 0 : i32
    %c0_i32_0 = arith.constant 0 : i32
    return %arg0, %c0_i32 : i32, i32
  }
}

module attributes {stable_mosaic.version = 14 : i64} {
  func.func @_phase_e(%arg0: i32, %arg1: memref<2000x16xf32, #tpu.memory_space<vmem>>, %arg2: memref<2000x16xf32, #tpu.memory_space<vmem>>, %arg3: memref<2000x16xf32, #tpu.memory_space<vmem>>, %arg4: memref<2000x16xf32, #tpu.memory_space<vmem>>, %arg5: memref<2000x16xf32, #tpu.memory_space<vmem>>, %arg6: memref<2000x16xf32, #tpu.memory_space<vmem>>) attributes {dimension_semantics = [#tpu.dimension_semantics<arbitrary>], iteration_bounds = array<i64: 5>, scalar_prefetch = 0 : i64, scratch_operands = 0 : i64, tpu.core_type = #tpu.core_type<tc>, window_params = [{transform_indices = @transform_0, window_bounds = array<i64: 2000, 16>}, {transform_indices = @transform_1, window_bounds = array<i64: 2000, 16>}, {transform_indices = @transform_2, window_bounds = array<i64: 2000, 16>}, {transform_indices = @transform_3, window_bounds = array<i64: 2000, 16>}, {transform_indices = @transform_4, window_bounds = array<i64: 2000, 16>}, {transform_indices = @transform_5, window_bounds = array<i64: 2000, 16>}]} {
    %get3A = arith.constant 0 : index
    %get3A_0 = arith.constant 0 : index
    %get3A_1 = vector.load %arg1[%get3A, %get3A_0] : memref<2000x16xf32, #tpu.memory_space<vmem>>, vector<2000x16xf32>
    %get3A_2 = arith.constant 0 : index
    %get3A_3 = arith.constant 0 : index
    %get3A_4 = vector.load %arg2[%get3A_2, %get3A_3] : memref<2000x16xf32, #tpu.memory_space<vmem>>, vector<2000x16xf32>
    %add3A = arith.addf %get3A_1, %get3A_4 : vector<2000x16xf32>
    %get3A_5 = arith.constant 0 : index
    %get3A_6 = arith.constant 0 : index
    %get3A_7 = vector.load %arg3[%get3A_5, %get3A_6] : memref<2000x16xf32, #tpu.memory_space<vmem>>, vector<2000x16xf32>
    %add3A_8 = arith.addf %add3A, %get3A_7 : vector<2000x16xf32>
    %get3A_9 = arith.constant 0 : index
    %get3A_10 = arith.constant 0 : index
    %get3A_11 = vector.load %arg4[%get3A_9, %get3A_10] : memref<2000x16xf32, #tpu.memory_space<vmem>>, vector<2000x16xf32>
    %mul3A = arith.mulf %add3A_8, %get3A_11 : vector<2000x16xf32>
    %get3A_12 = arith.constant 0 : index
    %get3A_13 = arith.constant 0 : index
    %get3A_14 = vector.load %arg5[%get3A_12, %get3A_13] : memref<2000x16xf32, #tpu.memory_space<vmem>>, vector<2000x16xf32>
    %add3A_15 = arith.addf %mul3A, %get3A_14 : vector<2000x16xf32>
    %swap3A = arith.constant 0 : index
    %swap3A_16 = arith.constant 0 : index
    %swap3A_17 = vector.load %arg6[%swap3A, %swap3A_16] : memref<2000x16xf32, #tpu.memory_space<vmem>>, vector<2000x16xf32>
    tpu.vector_store %arg6[%swap3A, %swap3A_16], %add3A_15 {strides = array<i32>} : memref<2000x16xf32, #tpu.memory_space<vmem>>, vector<2000x16xf32>,
    return
  }
  func.func @transform_0(%arg0: i32) -> (i32, i32) {
    %c0_i32 = arith.constant 0 : i32
    %c0_i32_0 = arith.constant 0 : i32
    return %arg0, %c0_i32 : i32, i32
  }
  func.func @transform_1(%arg0: i32) -> (i32, i32) {
    %c0_i32 = arith.constant 0 : i32
    %c0_i32_0 = arith.constant 0 : i32
    return %arg0, %c0_i32 : i32, i32
  }
  func.func @transform_2(%arg0: i32) -> (i32, i32) {
    %c0_i32 = arith.constant 0 : i32
    %c0_i32_0 = arith.constant 0 : i32
    return %arg0, %c0_i32 : i32, i32
  }
  func.func @transform_3(%arg0: i32) -> (i32, i32) {
    %c0_i32 = arith.constant 0 : i32
    %c0_i32_0 = arith.constant 0 : i32
    return %arg0, %c0_i32 : i32, i32
  }
  func.func @transform_4(%arg0: i32) -> (i32, i32) {
    %c0_i32 = arith.constant 0 : i32
    %c0_i32_0 = arith.constant 0 : i32
    return %arg0, %c0_i32 : i32, i32
  }
  func.func @transform_5(%arg0: i32) -> (i32, i32) {
    %c0_i32 = arith.constant 0 : i32
    %c0_i32_0 = arith.constant 0 : i32
    return %arg0, %c0_i32 : i32, i32
  }
}

</mosaic_0001>

<sc_bundles>
// kernel: kernel.10.cloned.1.call-start
scs
__scs_entry_jumppad:
0x0: {  	(pc) =	sbr.rel $0x88, $3  }
0x1: {  	(tag) =	ssettag $0x0;
	lr =	simm.s32 $0x1  }
0x2: {  	[smem:$0x3F99] =	sst lr;
	_ =	strace $0xD0000000  }
0x3: {  	_ = 	snop  }
0x4: {  	_ = 	snop  }
0x5: {  	_ = 	snop  }
0x6: {  	_ = 	snop  }
0x7: {  	_ = 	snop  }
__scs_overlays_trampoline_lowered:
0x8: {  	[smem:$0x3FA8] =	sst s0  }
0x9: {  	[smem:$0x3FA9] =	sst s1  }
0xa: {  	[smem:$0x3FAA] =	sst s2  }
0xb: {  	[smem:$0x3FAB] =	sst s3  }
0xc: {  	[smem:$0x3FAC] =	sst s4  }
0xd: {  	[smem:$0x3FAD] =	sst s5  }
0xe: {  	[smem:$0x3FAE] =	sst s6  }
0xf: {  	[smem:$0x3FAF] =	sst s7  }
0x10: {  	[smem:$0x3FB0] =	sst s8  }
0x11: {  	[smem:$0x3FB1] =	sst s9;
	s0 =	simm.s32 @!p0 $0x0  }
0x12: {  	s1 =	sld [smem:$0x3F97];
	s0 =	simm.s32 @p0 $0x1  }
0x13: {  	[smem:$0x3FB2] =	sst s0;
	s0 =	simm.s32 @!p1 $0x0  }
0x14: {  	s2 =	sld [smem:$0x3F96];
	s0 =	simm.s32 @p1 $0x1  }
0x15: {  	[smem:$0x3FB3] =	sst s0;
	s0 =	simm.s32 @!p2 $0x0  }
0x16: {  	s3 =	sld [smem:$0x3FDB];
	s0 =	simm.s32 @p2 $0x1  }
0x17: {  	s4 =	simm.s32 $0x1BF5;
	[smem:$0x3FB5] =	sst s0  }
0x18: {  	s0 =	sld [smem:$0x3F98];
	_ =	swait.ge [sflag:s4], $0x0  }
0x19: {  	s7 =	sld [smem:$0x3F99]  }
0x1a: {  	s8 =	sadd.s32 $0xFFFFE003, lr  }
0x1b: {  	s9 =	sadd.s32 $0xFFFFFEF7, lr;
	s5 =	simm.s32 $0xFFFFFFFF;
	p2 =	slt.u32 s8, $0xFFFFF086  }
0x1c: {  	p1 =	slt.u32 s9, $0xF7A;
	s5 =	simm.s32 @!p2 $0x0  }
0x1d: {  	s5 =	simm.s32 @p1 $0x1;
	p0 =	seq.s32 s7, s2  }
0x1e: {  	s7 =	smul.u32 @!p0 $0xF7A, s2;
	p2 =	seq.s32 @!p0 s5, $0x0  }
0x1f: {  	s9 =	smul.u32 $0xF7A, s1;
	s8 =	simm.s32 @!p0 $0x1BF5;
	p2 =	por !p2, p0  }
0x20: {  	[sflag:s8] =	ssyncset.s32 @!p0 $0xFFFFF086;
	s6 =	sadd.s32 @!p0 s3, s7;
	s7 =	simm.s32 @!p0 $0x108  }
0x21: {  	s3 =	sadd.s32 s3, s9;
	s6 =	sadd.s32 @!p0 $0x88, s6;
	s7 =	simm.s32 @p2 $0x1082  }
0x22: {  	[simem:s7], [sflag:s8] =	dma.local @!p0 [hbm:s6], $0xF7A  }
0x23: {  	s9 =	sor.u32 $0xD0000000, s2;
	s6 =	simm.s32 $0x108;
	_ =	swait.ge @!p0 [sflag:s8], $0x0  }
0x24: {  	s3 =	sadd.s32 $0x88, s3;
	s6 =	simm.s32 @!p1 $0x1082;
	[sflag:s4] =	ssyncset.s32 $0xFFFFF086  }
0x25: {  	[simem:s6], [sflag:s4] =	dma.local [hbm:s3], $0xF7A  }
0x26: {  	[smem:$0x3F99] =	sst s1;
	(tag) =	ssettag s2;
	_ =	strace s9  }
0x27: {  	s1 =	sld [smem:$0x3FA9]  }
0x28: {  	s2 =	sld [smem:$0x3FAA]  }
0x29: {  	s4 =	sld [smem:$0x3FAC]  }
0x2a: {  	p0 =	seq.s32 s5, $0x0;
	s5 =	sld [smem:$0x3FAD]  }
0x2b: {  	s6 =	sld [smem:$0x3FAE]  }
0x2c: {  	s7 =	sld [smem:$0x3FAF]  }
0x2d: {  	s3 =	simm.s32 $0x108;
	s8 =	sld [smem:$0x3FB0]  }
0x2e: {  	s3 =	simm.s32 @!p0 $0x1082;
	s9 =	sld [smem:$0x3FB1]  }
0x2f: {  	lr =	sadd.s32 s0, s3;
	s0 =	sld [smem:$0x3FA8]  }
0x30: {  	s3 =	sld [smem:$0x3FAB]  }
0x31: {  	[smem:$0x3FB4] =	sst s10  }
0x32: {  	s10 =	sld [smem:$0x3FB2];
	_ =	sdelay $0x3  }
0x33: {  	p0 =	seq.s32 s10, $0x1;
	s10 =	sld [smem:$0x3FB4];
	_ =	sdelay $0x3  }
0x34: {  	[smem:$0x3FB4] =	sst s10  }
0x35: {  	s10 =	sld [smem:$0x3FB3];
	_ =	sdelay $0x3  }
0x36: {  	p1 =	seq.s32 s10, $0x1;
	s10 =	sld [smem:$0x3FB4];
	_ =	sdelay $0x3  }
0x37: {  	[smem:$0x3FB4] =	sst s10  }
0x38: {  	s10 =	sld [smem:$0x3FB5]  }
0x39: {  	_ = 	snop;
	(pc) =	sbr.ind lr, $3  }
0x3a: {  	_ = 	snop  }
0x3b: {  	_ = 	snop  }
0x3c: {  	p2 =	seq.s32 s10, $0x1;
	s10 =	sld [smem:$0x3FB4]  }
0x3d: {  	_ =	shalt  }
0x3e: {  	_ =	shalt  }
0x3f: {  	_ =	shalt  }
0x40: {  	_ =	shalt  }
0x41: {  	_ =	shalt  }
0x42: {  	_ =	shalt  }
0x43: {  	_ =	shalt  }
0x44: {  	_ =	shalt  }
0x45: {  	_ =	shalt  }
0x46: {  	_ =	shalt  }
0x47: {  	_ =	shalt  }
0x48: {  	_ =	shalt  }
0x49: {  	_ =	shalt  }
0x4a: {  	_ =	shalt  }
0x4b: {  	_ =	shalt  }
0x4c: {  	_ =	shalt  }
0x4d: {  	_ =	shalt  }
0x4e: {  	_ =	shalt  }
0x4f: {  	_ =	shalt  }
0x50: {  	_ =	shalt  }
0x51: {  	_ =	shalt  }
0x52: {  	_ =	shalt  }
0x53: {  	_ =	shalt  }
0x54: {  	_ =	shalt  }
0x55: {  	_ =	shalt  }
0x56: {  	_ =	shalt  }
0x57: {  	_ =	shalt  }
0x58: {  	_ =	shalt  }
0x59: {  	_ =	shalt  }
0x5a: {  	_ =	shalt  }
0x5b: {  	_ =	shalt  }
0x5c: {  	_ =	shalt  }
0x5d: {  	_ =	shalt  }
0x5e: {  	_ =	shalt  }
0x5f: {  	_ =	shalt  }
0x60: {  	_ =	shalt  }
0x61: {  	_ =	shalt  }
0x62: {  	_ =	shalt  }
0x63: {  	_ =	shalt  }
0x64: {  	_ =	shalt  }
0x65: {  	_ =	shalt  }
0x66: {  	_ =	shalt  }
0x67: {  	_ =	shalt  }
0x68: {  	_ =	shalt  }
0x69: {  	_ =	shalt  }
0x6a: {  	_ =	shalt  }
0x6b: {  	_ =	shalt  }
0x6c: {  	_ =	shalt  }
0x6d: {  	_ =	shalt  }
0x6e: {  	_ =	shalt  }
0x6f: {  	_ =	shalt  }
0x70: {  	_ =	shalt  }
0x71: {  	_ =	shalt  }
0x72: {  	_ =	shalt  }
0x73: {  	_ =	shalt  }
0x74: {  	_ =	shalt  }
0x75: {  	_ =	shalt  }
0x76: {  	_ =	shalt  }
0x77: {  	_ =	shalt  }
0x78: {  	_ =	shalt  }
0x79: {  	_ =	shalt  }
0x7a: {  	_ =	shalt  }
0x7b: {  	_ =	shalt  }
0x7c: {  	_ =	shalt  }
0x7d: {  	_ =	shalt  }
0x7e: {  	_ =	shalt  }
0x7f: {  	_ =	shalt  }
0x80: {  	_ =	shalt  }
0x81: {  	_ =	shalt  }
0x82: {  	_ =	shalt  }
0x83: {  	_ =	shalt  }
0x84: {  	_ =	shalt  }
0x85: {  	_ =	shalt  }
0x86: {  	_ =	shalt  }
0x87: {  	_ =	shalt  }
.Lfunc_end0:
.L_simem_size_0:
called_computation.1_lowered:
.L_overlay_start_0:
0x88: {  	s2 =	sld [smem:$0x3FD9]  }
0x89: {  	s3 =	sld [smem:$0x3FFE];
	_ =	sdelay $0x1  }
0x8a: {  	s1 =	srdreg.scid  }
0x8b: {  	s0 =	sand.u32 $0x1, s1  }
0x8c: {  	s17 =	sshll.u32 s0, $0xA;
	s2 =	sadd.s32 s3, s2  }
0x8d: {  	s2 =	sadd.s32 s2, s17  }
0x8e: {  	[smem:$0x3FC0] =	sst s2  }
0x8f: {  	_ = 	snop  }
0x90: {  	s2 =	sld [smem:$0x3FD0];
	(tm) =	ssettm $0x1  }
0x91: {  	s18 =	sld [smem:$0x3FFB];
	_ =	sdelay $0x3  }
0x92: {  	_ =	strace s18  }
0x93: {  	s3 =	sld [smem:$0x3FFC];
	_ =	sdelay $0x3  }
0x94: {  	_ =	strace s3  }
0x95: {  	s3 =	sld [smem:$0x3FFD];
	_ =	sdelay $0x3  }
0x96: {  	_ =	strace s3  }
0x97: {  	_ =	strace $0x8FFFFFFF  }
0x98: {  	s19 =	sld [smem:$0x3FDB];
	_ =	sdelay $0x1  }
0x99: {  	s4 =	simm.s32 $_scs_section_size  }
0x9a: {  	s5 =	simm.s32 $_size__tile_overlayer_lowered;
	s6 =	simm.s32 $_tile_overlayer_lowered  }
0x9b: {  	s22 =	simm.s32 $0x1BFF;
	s21 =	sshll.u32 s6, $0x1;
	s3 =	sadd.s32 s4, s19  }
0x9c: {  	s7 =	simm.s32 $0x0;
	s20 =	sshll.u32 s5, $0x1;
	s5 =	sadd.s32 s21, s3  }
0x9d: {  	[timem:s7], [sflag:s22] =	dma.local [hbm:s5], s20  }
0x9e: {  	_ =	swait.ge [sflag:s22], s20  }
0x9f: {  	s4 =	ssub.s32 $0x0, s20;
	[sflag:s22] =	ssyncset.done $0x0  }
0xa0: {  	[sflag:s22] =	ssyncadd.s32 s4;
	_ =	sdelay $0x1  }
0xa1: {  	s23 =	simm.s32 $0x1B8B  }
0xa2: {  	_ =	swait.ge [sflag:s23], $0x1  }
0xa3: {  	[sflag:s23] =	ssyncset.done $0x0  }
0xa4: {  	s25 =	simm.s32 $0x1B8E;
	s24 =	sld [smem:$0x3FFE];
	[sflag:s23] =	ssyncadd.s32 $0xFFFFFFFF  }
0xa5: {  	s26 =	simm.s32 $execute0_lowered;
	[smem:$0x3FD2] =	sst s25  }
0xa6: {  	s5 =	sshll.u32 s26, $0x1;
	_ =	strace $0x80000049;
	[dreg:$0x1] =	wrdreg $0xFFFFFFFF  }
0xa7: {  	s28 =	simm.s32 $_size_execute0_lowered;
	s3 =	sadd.s32 s3, s5;
	[dreg:$0x0] =	wrdreg $0x0  }
0xa8: {  	s5 =	sshll.u32 s28, $0x1;
	[dreg:$0x2] =	wrdreg s3  }
0xa9: {  	[dreg:$0x3] =	wrdreg s5  }
0xaa: {  	[dreg:$0x4] =	wrdreg $0xC0  }
0xab: {  	_ =	task [dreg:s7], $0x5FFFF  }
0xac: {  	[dreg:$0x1] =	wrdreg $0xFFFFFFFF  }
0xad: {  	[dreg:$0x0] =	wrdreg $0x60  }
0xae: {  	[dreg:$0x2] =	wrdreg s2  }
0xaf: {  	[dreg:$0x3] =	wrdreg s24  }
0xb0: {  	[dreg:$0x4] =	wrdreg $0x60000  }
0xb1: {  	[dreg:$0x5] =	wrdreg $0x9  }
0xb2: {  	_ =	task.clear_ibuf [dreg:s7], $0x6FFFF;
	_ =	strace $0x90000049  }
0xb3: {  	s29 =	simm.s32 $0x9;
	_ =	strace $0x8000004B  }
0xb4: {  	_ =	swait.ge [sflag:s29], $0x1  }
0xb5: {  	[sflag:s29] =	ssyncadd.s32 $0xFFFFFFFF  }
0xb6: {  	_ =	strace $0x9000004B  }
0xb7: {  	_ =	sfence  }
0xb8: {  	s30 =	sld [smem:$0x0];
	_ =	sdelay $0x2  }
0xb9: {  	s31 =	sshll.u32 s1, $0xD;
	s1 =	sshrl.u32 s1, $0x2  }
0xba: {  	s3 =	sand.u32 $0x4000, s31;
	s1 =	sadd.s32 s1, s30  }
0xbb: {  	s0 =	sor.u32 s3, s0;
	s1 =	sshll.u32 s1, $0x11  }
0xbc: {  	s0 =	sor.u32 s1, s0  }
0xbd: {  	s0 =	sadd.s32 $0x8F2B, s0  }
0xbe: {  	[sflag:s0] =	ssyncadd.remote.s32 $0x1  }
0xbf: {  	_ =	sfence.sel $0xFFFF  }
0xc0: {  	[dreg:$0x0] =	wrdreg $0xFFFFFFFF;
	(pc) =	sbr.abs _section_cstart, $3  }
0xc1: {  	[dreg:$0x1] =	wrdreg $0xFFFFFFFF  }
0xc2: {  	_ =	task.clear_ibuf [dreg:s7], $0x2FFFF;
	_ =	strace $0x9FFFFFFF  }
0xc3: {  	(tm) =	ssettm $0x7FFFFFFF  }
tec
execute0_lowered:
.L_overlay_start_1:
0x0: {  	(tag) =	ssettag $0x1  }
0x1: {  	s1 =	rddreg [dreg:$0x0]  }
0x2: {  	s9 =	rddreg [dreg:$0x1]  }
0x3: {  	s0 =	srdreg.scid;
	s3 =	rddreg [dreg:$0x2]  }
0x4: {  	s4 =	simm.s32 $0x0;
	s13 =	simm.s32 $0x6F000;
	s15 =	simm.s32 $0x5000  }
0x5: {  	s16 =	simm.s32 $0x5800;
	s17 =	simm.s32 $0x1;
	s18 =	simm.s32 $0x2  }
0x6: {  	s19 =	simm.s32 $0x4F00;
	s20 =	simm.s32 $0x4F80;
	s22 =	simm.s32 $0x0  }
0x7: {  	s6 =	sand.u32 $0x1, s0;
	s0 =	stileid.u32;
	[smem:$0x7FF] =	sst s4  }
0x8: {  	s2 =	sshll.u32 s6, $0x4;
	s7 =	smul.u32 $0x9E00, s0;
	s10 =	ssub.s32 $0x2, s6  }
0x9: {  	s31 =	sshll.u32 s0, $0x6;
	p0 =	seq.s32 s6, $0x1;
	s12 =	smul.u32 $0x2710, s0  }
0xa: {  	s5 =	sor.u32 s0, s2;
	s2 =	rddreg [dreg:$0x3];
	_ =	strace $0x8000004A  }
0xb: {  	s11 =	sshrl.u32 s10, $0x1;
	s6 =	sor.u32 $0x1C03, s31;
	s13 =	simm.s32 @!p0 $0x74000  }
0xc: {  	s5 =	smul.u32 $0x500, s5;
	s7 =	sshrl.u32 s7, $0x2;
	s10 =	ssub.s32 s10, s11  }
0xd: {  	s14 =	sshrl.u32 s12, $0x3;
	s13 =	sadd.s32 s13, s9;
	s21 =	sadd.s32 s12, s3  }
0xe: {  	s12 =	simm.s32 $0x3;
	s30 =	sadd.s32 s7, s3;
	s21 =	sshrl.u32 s21, $0x3  }
0xf: {  	s8 =	sadd.s32 s5, s9;
	s5 =	sadd.s32 $0x47800, s9;
	s9 =	smax.u32 s10, $0x1  }
0x10: {  	s10 =	sadd.s32 s13, s14;
	s11 =	sshrl.u32 s30, $0x3;
	s13 =	simm.s32 $0x2800  }
0x11: {  	s14 =	simm.s32 $0x80;
	s7 =	sadd.s32 $0x83600, s8;
	s8 =	sadd.s32 $0x79600, s8  }
.LBB2_1:
0x12: {  	[spmem:s11], [sflag:s6] =	dma.local [hbm:s5], $0x4F0  }
0x13: {  	_ =	swait.ge [sflag:s12], $0x4F0  }
0x14: {  	[sflag:s12] =	ssyncset.done $0x0  }
0x15: {  	[sflag:s12] =	ssyncadd.s32 $0xFFFFFB10  }
0x16: {  	[tilespmem:s4], [sflag:$0x3] =	stream.linear.gather [hbm4b:s7+s4], $0x2800, $0x38;
	[tilespmem:$0x8780] =	vst v63  }
0x17: {  	_ =	swait.ge [sflag:s12], $0x2800  }
0x18: {  	[sflag:s12] =	ssyncset.done $0x0  }
0x19: {  	[sflag:s12] =	ssyncadd.s32 $0xFFFFD800  }
0x1a: {  	[tilespmem:s13], [sflag:$0x3] =	stream.linear.gather [hbm4b:s8+s4], $0x2800, $0x38;
	[tilespmem:$0x8780] =	vst v63  }
0x1b: {  	_ =	swait.ge [sflag:s12], $0x2800  }
0x1c: {  	[sflag:s12] =	ssyncset.done $0x0  }
0x1d: {  	[sflag:s12] =	ssyncadd.s32 $0xFFFFD800  }
0x1e: {  	[bflag:$0x0] =	sbarrier.arrive $0xFFFF  }
0x1f: {  	[tilespmem:s15], [sflag:$0x1] =	stream.indirect.gather [hbm4b:s1+s14], $0x10, s4, s14, $0xb8;
	[tilespmem:$0x8780] =	vst v63  }
0x20: {  	_ = 	snop  }
0x21: {  	[tilespmem:s16], [sflag:$0x2] =	stream.indirect.gather [hbm4b:s1+s14], $0x10, s14, s14, $0xb8;
	[tilespmem:$0x8780] =	vst v63  }
0x22: {  	_ =	swait.ge [sflag:s17], $0x800  }
0x23: {  	[sflag:s17] =	ssyncset.done $0x0  }
0x24: {  	s23 =	simm.s32 $0x2800;
	[sflag:s17] =	ssyncadd.s32 $0xFFFFF800  }
0x25: {  	[spmem:s3] =	stream.indirect.scatter.add.f32 [tilespmem:s15], [sflag:$0x3], $0x10, s23, s14, $0xb8;
	[tilespmem:$0x8780] =	vst v63  }
0x26: {  	_ =	swait.ge [sflag:s12], $0x800  }
0x27: {  	[sflag:s12] =	ssyncset.done $0x0  }
0x28: {  	s30 =	simm.s32 $0x100;
	[sflag:s12] =	ssyncadd.s32 $0xFFFFF800  }
0x29: {  	[tilespmem:s15], [sflag:$0x1] =	stream.indirect.gather [hbm4b:s1+s14], $0x10, s30, s14, $0xb8;
	[tilespmem:$0x8780] =	vst v63  }
0x2a: {  	_ =	swait.ge [sflag:s18], $0x800  }
0x2b: {  	[sflag:s18] =	ssyncset.done $0x0  }
0x2c: {  	s31 =	simm.s32 $0x2880;
	[sflag:s18] =	ssyncadd.s32 $0xFFFFF800  }
0x2d: {  	[spmem:s3] =	stream.indirect.scatter.add.f32 [tilespmem:s16], [sflag:$0x3], $0x10, s31, s14, $0xb8;
	[tilespmem:$0x8780] =	vst v63  }
0x2e: {  	_ =	swait.ge [sflag:s12], $0x800  }
0x2f: {  	[sflag:s12] =	ssyncset.done $0x0  }
0x30: {  	s24 =	simm.s32 $0x180;
	s23 =	simm.s32 $0x400;
	[sflag:s12] =	ssyncadd.s32 $0xFFFFF800  }
.LBB2_2:
0x31: {  	[tilespmem:s16], [sflag:$0x2] =	stream.indirect.gather [hbm4b:s1+s14], $0x10, s24, s14, $0xb8;
	[tilespmem:$0x8780] =	vst v63  }
0x32: {  	s24 =	smov.u32 s23  }
0x33: {  	p0 =	sne.s32 s23, $0x9800;
	s23 =	sadd.s32 $0x400, s23;
	_ =	swait.ge [sflag:s17], $0x800  }
0x34: {  	s24 =	sshra.s32 s24, $0x2;
	[sflag:s17] =	ssyncset.done $0x0  }
0x35: {  	s25 =	sadd.s32 $0x2800, s24;
	[sflag:s17] =	ssyncadd.s32 $0xFFFFF800  }
0x36: {  	[spmem:s3] =	stream.indirect.scatter.add.f32 [tilespmem:s15], [sflag:$0x3], $0x10, s25, s14, $0xb8;
	[tilespmem:$0x8780] =	vst v63  }
0x37: {  	_ =	swait.ge [sflag:s12], $0x800  }
0x38: {  	[sflag:s12] =	ssyncset.done $0x0  }
0x39: {  	s25 =	sadd.s32 $0x100, s24;
	[sflag:s12] =	ssyncadd.s32 $0xFFFFF800  }
0x3a: {  	[tilespmem:s15], [sflag:$0x1] =	stream.indirect.gather [hbm4b:s1+s14], $0x10, s25, s14, $0xb8;
	[tilespmem:$0x8780] =	vst v63  }
0x3b: {  	_ =	swait.ge [sflag:s18], $0x800  }
0x3c: {  	[sflag:s18] =	ssyncset.done $0x0  }
.Ltmp0:
0x3d: {  	s25 =	sadd.s32 $0x2880, s24;
	[sflag:s18] =	ssyncadd.s32 $0xFFFFF800;
	(pc) =	sbr.rel @p0 .LBB2_2-.Ltmp0, $4  }
0x3e: {  	[spmem:s3] =	stream.indirect.scatter.add.f32 [tilespmem:s16], [sflag:$0x3], $0x10, s25, s14, $0xb8;
	[tilespmem:$0x8780] =	vst v63  }
0x3f: {  	_ =	swait.ge [sflag:s12], $0x800  }
0x40: {  	[sflag:s12] =	ssyncset.done $0x0  }
0x41: {  	s24 =	sadd.s32 $0x180, s24;
	[sflag:s12] =	ssyncadd.s32 $0xFFFFF800  }
0x42: {  	[tilespmem:s16], [sflag:$0x2] =	stream.indirect.gather [hbm4b:s1+s14], $0x10, s24, s14, $0xb8;
	[tilespmem:$0x8780] =	vst v63  }
0x43: {  	_ =	swait.ge [sflag:s17], $0x800  }
0x44: {  	[sflag:s17] =	ssyncset.done $0x0  }
0x45: {  	[sflag:s17] =	ssyncadd.s32 $0xFFFFF800  }
0x46: {  	[spmem:s3] =	stream.indirect.scatter.add.f32 [tilespmem:s15], [sflag:$0x3], $0x10, s19, s14, $0xb8;
	[tilespmem:$0x8780] =	vst v63  }
0x47: {  	_ =	swait.ge [sflag:s12], $0x800  }
0x48: {  	[sflag:s12] =	ssyncset.done $0x0  }
0x49: {  	[sflag:s12] =	ssyncadd.s32 $0xFFFFF800  }
0x4a: {  	_ =	swait.ge [sflag:s18], $0x800  }
0x4b: {  	[sflag:s18] =	ssyncset.done $0x0  }
0x4c: {  	[sflag:s18] =	ssyncadd.s32 $0xFFFFF800  }
0x4d: {  	[spmem:s3] =	stream.indirect.scatter.add.f32 [tilespmem:s16], [sflag:$0x3], $0x10, s20, s14, $0xb8;
	[tilespmem:$0x8780] =	vst v63  }
0x4e: {  	_ =	swait.ge [sflag:s12], $0x800  }
0x4f: {  	s22 =	sadd.s32 $0x1, s22;
	[sflag:s12] =	ssyncset.done $0x0  }
0x50: {  	p0 =	sne.s32 s22, s9;
	[sflag:s12] =	ssyncadd.s32 $0xFFFFF800  }
.Ltmp1:
0x51: {  	[bflag:$0x0] =	sbarrier.arrive $0xFFFF;
	(pc) =	sbr.rel @p0 .LBB2_1-.Ltmp1, $4  }
0x52: {  	[hbm:s10], [sflag:s6] =	dma.local [spmem:s21], $0x4E2  }
0x53: {  	_ =	swait.ge [sflag:s12], $0x4E2  }
0x54: {  	[sflag:s12] =	ssyncset.done $0x0  }
0x55: {  	[sflag:s12] =	ssyncadd.s32 $0xFFFFFB1E  }
0x56: {  	_ =	sfence.sel $0x180000  }
0x57: {  	[bflag:$0x0] =	sbarrier.arrive $0xFFFF  }
0x58: {  	p0 =	sne.s32 s0, $0x0;
	_ =	strace $0x9000004A  }
0x59: {  	s0 =	sadd.s32 @!p0 $0x100000, s2;
	[bflag:$0x2] =	sbarrier.arrive $0xFFFF  }
0x5a: {  	[sflag:s0] =	ssyncadd.tile.s32 @!p0 $0x1;
	_ =	shalt  }
.Lfunc_end2:
_tile_overlayer_lowered:
.L_overlay_start_2:
0x5b: {  	(tag) =	ssettag $0x2  }
0x5c: {  	s0 =	rddreg [dreg:$0x0];
	s2 =	stileid.u32  }
0x5d: {  	s1 =	rddreg [dreg:$0x1];
	p0 =	sne.s32 s2, $0x0  }
0x5e: {  	s3 =	rddreg [dreg:$0x2];
	[bflag:$0x3] =	sbarrier.arrive $0xFFFF;
	s2 =	simm.s32 @!p0 $0x1C03  }
0x5f: {  	[timem:s3], [sflag:s2] =	dma.local @!p0 [hbm:s0], s1  }
0x60: {  	s0 =	simm.s32 @!p0 $0x3  }
0x61: {  	_ =	swait.ge @!p0 [sflag:s0], s1  }
0x62: {  	s1 =	ssub.s32 @!p0 $0x0, s1;
	[sflag:s0] =	ssyncset.done @!p0 $0x0  }
0x63: {  	[sflag:s0] =	ssyncadd.s32 @!p0 s1  }
0x64: {  	[bflag:$0x3] =	sbarrier.arrive $0xFFFF  }
0x65: {  	_ =	shalt  }

// kernel: kernel.7.cloned.1.call-start
scs
__scs_entry_jumppad:
0x0: {  	(pc) =	sbr.rel $0x88, $3  }
0x1: {  	(tag) =	ssettag $0x0;
	lr =	simm.s32 $0x1  }
0x2: {  	[smem:$0x3F99] =	sst lr;
	_ =	strace $0xD0000000  }
0x3: {  	_ = 	snop  }
0x4: {  	_ = 	snop  }
0x5: {  	_ = 	snop  }
0x6: {  	_ = 	snop  }
0x7: {  	_ = 	snop  }
__scs_overlays_trampoline_lowered:
0x8: {  	[smem:$0x3FA8] =	sst s0  }
0x9: {  	[smem:$0x3FA9] =	sst s1  }
0xa: {  	[smem:$0x3FAA] =	sst s2  }
0xb: {  	[smem:$0x3FAB] =	sst s3  }
0xc: {  	[smem:$0x3FAC] =	sst s4  }
0xd: {  	[smem:$0x3FAD] =	sst s5  }
0xe: {  	[smem:$0x3FAE] =	sst s6  }
0xf: {  	[smem:$0x3FAF] =	sst s7  }
0x10: {  	[smem:$0x3FB0] =	sst s8  }
0x11: {  	[smem:$0x3FB1] =	sst s9;
	s0 =	simm.s32 @!p0 $0x0  }
0x12: {  	s1 =	sld [smem:$0x3F97];
	s0 =	simm.s32 @p0 $0x1  }
0x13: {  	[smem:$0x3FB2] =	sst s0;
	s0 =	simm.s32 @!p1 $0x0  }
0x14: {  	s2 =	sld [smem:$0x3F96];
	s0 =	simm.s32 @p1 $0x1  }
0x15: {  	[smem:$0x3FB3] =	sst s0;
	s0 =	simm.s32 @!p2 $0x0  }
0x16: {  	s3 =	sld [smem:$0x3FDB];
	s0 =	simm.s32 @p2 $0x1  }
0x17: {  	s4 =	simm.s32 $0x1BF5;
	[smem:$0x3FB5] =	sst s0  }
0x18: {  	s0 =	sld [smem:$0x3F98];
	_ =	swait.ge [sflag:s4], $0x0  }
0x19: {  	s7 =	sld [smem:$0x3F99]  }
0x1a: {  	s8 =	sadd.s32 $0xFFFFE003, lr  }
0x1b: {  	s9 =	sadd.s32 $0xFFFFFEF7, lr;
	s5 =	simm.s32 $0xFFFFFFFF;
	p2 =	slt.u32 s8, $0xFFFFF086  }
0x1c: {  	p1 =	slt.u32 s9, $0xF7A;
	s5 =	simm.s32 @!p2 $0x0  }
0x1d: {  	s5 =	simm.s32 @p1 $0x1;
	p0 =	seq.s32 s7, s2  }
0x1e: {  	s7 =	smul.u32 @!p0 $0xF7A, s2;
	p2 =	seq.s32 @!p0 s5, $0x0  }
0x1f: {  	s9 =	smul.u32 $0xF7A, s1;
	s8 =	simm.s32 @!p0 $0x1BF5;
	p2 =	por !p2, p0  }
0x20: {  	[sflag:s8] =	ssyncset.s32 @!p0 $0xFFFFF086;
	s6 =	sadd.s32 @!p0 s3, s7;
	s7 =	simm.s32 @!p0 $0x108  }
0x21: {  	s3 =	sadd.s32 s3, s9;
	s6 =	sadd.s32 @!p0 $0x88, s6;
	s7 =	simm.s32 @p2 $0x1082  }
0x22: {  	[simem:s7], [sflag:s8] =	dma.local @!p0 [hbm:s6], $0xF7A  }
0x23: {  	s9 =	sor.u32 $0xD0000000, s2;
	s6 =	simm.s32 $0x108;
	_ =	swait.ge @!p0 [sflag:s8], $0x0  }
0x24: {  	s3 =	sadd.s32 $0x88, s3;
	s6 =	simm.s32 @!p1 $0x1082;
	[sflag:s4] =	ssyncset.s32 $0xFFFFF086  }
0x25: {  	[simem:s6], [sflag:s4] =	dma.local [hbm:s3], $0xF7A  }
0x26: {  	[smem:$0x3F99] =	sst s1;
	(tag) =	ssettag s2;
	_ =	strace s9  }
0x27: {  	s1 =	sld [smem:$0x3FA9]  }
0x28: {  	s2 =	sld [smem:$0x3FAA]  }
0x29: {  	s4 =	sld [smem:$0x3FAC]  }
0x2a: {  	p0 =	seq.s32 s5, $0x0;
	s5 =	sld [smem:$0x3FAD]  }
0x2b: {  	s6 =	sld [smem:$0x3FAE]  }
0x2c: {  	s7 =	sld [smem:$0x3FAF]  }
0x2d: {  	s3 =	simm.s32 $0x108;
	s8 =	sld [smem:$0x3FB0]  }
0x2e: {  	s3 =	simm.s32 @!p0 $0x1082;
	s9 =	sld [smem:$0x3FB1]  }
0x2f: {  	lr =	sadd.s32 s0, s3;
	s0 =	sld [smem:$0x3FA8]  }
0x30: {  	s3 =	sld [smem:$0x3FAB]  }
0x31: {  	[smem:$0x3FB4] =	sst s10  }
0x32: {  	s10 =	sld [smem:$0x3FB2];
	_ =	sdelay $0x3  }
0x33: {  	p0 =	seq.s32 s10, $0x1;
	s10 =	sld [smem:$0x3FB4];
	_ =	sdelay $0x3  }
0x34: {  	[smem:$0x3FB4] =	sst s10  }
0x35: {  	s10 =	sld [smem:$0x3FB3];
	_ =	sdelay $0x3  }
0x36: {  	p1 =	seq.s32 s10, $0x1;
	s10 =	sld [smem:$0x3FB4];
	_ =	sdelay $0x3  }
0x37: {  	[smem:$0x3FB4] =	sst s10  }
0x38: {  	s10 =	sld [smem:$0x3FB5]  }
0x39: {  	_ = 	snop;
	(pc) =	sbr.ind lr, $3  }
0x3a: {  	_ = 	snop  }
0x3b: {  	_ = 	snop  }
0x3c: {  	p2 =	seq.s32 s10, $0x1;
	s10 =	sld [smem:$0x3FB4]  }
0x3d: {  	_ =	shalt  }
0x3e: {  	_ =	shalt  }
0x3f: {  	_ =	shalt  }
0x40: {  	_ =	shalt  }
0x41: {  	_ =	shalt  }
0x42: {  	_ =	shalt  }
0x43: {  	_ =	shalt  }
0x44: {  	_ =	shalt  }
0x45: {  	_ =	shalt  }
0x46: {  	_ =	shalt  }
0x47: {  	_ =	shalt  }
0x48: {  	_ =	shalt  }
0x49: {  	_ =	shalt  }
0x4a: {  	_ =	shalt  }
0x4b: {  	_ =	shalt  }
0x4c: {  	_ =	shalt  }
0x4d: {  	_ =	shalt  }
0x4e: {  	_ =	shalt  }
0x4f: {  	_ =	shalt  }
0x50: {  	_ =	shalt  }
0x51: {  	_ =	shalt  }
0x52: {  	_ =	shalt  }
0x53: {  	_ =	shalt  }
0x54: {  	_ =	shalt  }
0x55: {  	_ =	shalt  }
0x56: {  	_ =	shalt  }
0x57: {  	_ =	shalt  }
0x58: {  	_ =	shalt  }
0x59: {  	_ =	shalt  }
0x5a: {  	_ =	shalt  }
0x5b: {  	_ =	shalt  }
0x5c: {  	_ =	shalt  }
0x5d: {  	_ =	shalt  }
0x5e: {  	_ =	shalt  }
0x5f: {  	_ =	shalt  }
0x60: {  	_ =	shalt  }
0x61: {  	_ =	shalt  }
0x62: {  	_ =	shalt  }
0x63: {  	_ =	shalt  }
0x64: {  	_ =	shalt  }
0x65: {  	_ =	shalt  }
0x66: {  	_ =	shalt  }
0x67: {  	_ =	shalt  }
0x68: {  	_ =	shalt  }
0x69: {  	_ =	shalt  }
0x6a: {  	_ =	shalt  }
0x6b: {  	_ =	shalt  }
0x6c: {  	_ =	shalt  }
0x6d: {  	_ =	shalt  }
0x6e: {  	_ =	shalt  }
0x6f: {  	_ =	shalt  }
0x70: {  	_ =	shalt  }
0x71: {  	_ =	shalt  }
0x72: {  	_ =	shalt  }
0x73: {  	_ =	shalt  }
0x74: {  	_ =	shalt  }
0x75: {  	_ =	shalt  }
0x76: {  	_ =	shalt  }
0x77: {  	_ =	shalt  }
0x78: {  	_ =	shalt  }
0x79: {  	_ =	shalt  }
0x7a: {  	_ =	shalt  }
0x7b: {  	_ =	shalt  }
0x7c: {  	_ =	shalt  }
0x7d: {  	_ =	shalt  }
0x7e: {  	_ =	shalt  }
0x7f: {  	_ =	shalt  }
0x80: {  	_ =	shalt  }
0x81: {  	_ =	shalt  }
0x82: {  	_ =	shalt  }
0x83: {  	_ =	shalt  }
0x84: {  	_ =	shalt  }
0x85: {  	_ =	shalt  }
0x86: {  	_ =	shalt  }
0x87: {  	_ =	shalt  }
.Lfunc_end0:
.L_simem_size_0:
called_computation_lowered:
.L_overlay_start_0:
0x88: {  	s2 =	sld [smem:$0x3FD9]  }
0x89: {  	s3 =	sld [smem:$0x3FFE];
	_ =	sdelay $0x1  }
0x8a: {  	s1 =	srdreg.scid  }
0x8b: {  	s0 =	sand.u32 $0x1, s1  }
0x8c: {  	s17 =	sshll.u32 s0, $0xA;
	s2 =	sadd.s32 s3, s2  }
0x8d: {  	s2 =	sadd.s32 s2, s17  }
0x8e: {  	[smem:$0x3FC0] =	sst s2  }
0x8f: {  	_ = 	snop  }
0x90: {  	s2 =	sld [smem:$0x3FD0];
	(tm) =	ssettm $0x1  }
0x91: {  	s18 =	sld [smem:$0x3FFB];
	_ =	sdelay $0x3  }
0x92: {  	_ =	strace s18  }
0x93: {  	s3 =	sld [smem:$0x3FFC];
	_ =	sdelay $0x3  }
0x94: {  	_ =	strace s3  }
0x95: {  	s3 =	sld [smem:$0x3FFD];
	_ =	sdelay $0x3  }
0x96: {  	_ =	strace s3  }
0x97: {  	_ =	strace $0x8FFFFFFF  }
0x98: {  	s19 =	sld [smem:$0x3FDB];
	_ =	sdelay $0x1  }
0x99: {  	s4 =	simm.s32 $_scs_section_size  }
0x9a: {  	s5 =	simm.s32 $_size__tile_overlayer_lowered;
	s6 =	simm.s32 $_tile_overlayer_lowered  }
0x9b: {  	s22 =	simm.s32 $0x1BFF;
	s21 =	sshll.u32 s6, $0x1;
	s3 =	sadd.s32 s4, s19  }
0x9c: {  	s7 =	simm.s32 $0x0;
	s20 =	sshll.u32 s5, $0x1;
	s5 =	sadd.s32 s21, s3  }
0x9d: {  	[timem:s7], [sflag:s22] =	dma.local [hbm:s5], s20  }
0x9e: {  	_ =	swait.ge [sflag:s22], s20  }
0x9f: {  	s4 =	ssub.s32 $0x0, s20;
	[sflag:s22] =	ssyncset.done $0x0  }
0xa0: {  	[sflag:s22] =	ssyncadd.s32 s4;
	_ =	sdelay $0x1  }
0xa1: {  	s23 =	simm.s32 $0x1B8B  }
0xa2: {  	_ =	swait.ge [sflag:s23], $0x1  }
0xa3: {  	[sflag:s23] =	ssyncset.done $0x0  }
0xa4: {  	s25 =	simm.s32 $0x1B8E;
	s24 =	sld [smem:$0x3FFE];
	[sflag:s23] =	ssyncadd.s32 $0xFFFFFFFF  }
0xa5: {  	s26 =	simm.s32 $execute0_lowered;
	[smem:$0x3FD2] =	sst s25  }
0xa6: {  	s5 =	sshll.u32 s26, $0x1;
	_ =	strace $0x80000046;
	[dreg:$0x1] =	wrdreg $0xFFFFFFFF  }
0xa7: {  	s28 =	simm.s32 $_size_execute0_lowered;
	s3 =	sadd.s32 s3, s5;
	[dreg:$0x0] =	wrdreg $0x0  }
0xa8: {  	s5 =	sshll.u32 s28, $0x1;
	[dreg:$0x2] =	wrdreg s3  }
0xa9: {  	[dreg:$0x3] =	wrdreg s5  }
0xaa: {  	[dreg:$0x4] =	wrdreg $0xC0  }
0xab: {  	_ =	task [dreg:s7], $0x5FFFF  }
0xac: {  	[dreg:$0x1] =	wrdreg $0xFFFFFFFF  }
0xad: {  	[dreg:$0x0] =	wrdreg $0x60  }
0xae: {  	[dreg:$0x2] =	wrdreg s24  }
0xaf: {  	[dreg:$0x3] =	wrdreg s2  }
0xb0: {  	[dreg:$0x4] =	wrdreg $0xE6000  }
0xb1: {  	[dreg:$0x5] =	wrdreg $0x184000  }
0xb2: {  	[dreg:$0x6] =	wrdreg $0x9  }
0xb3: {  	_ =	task.clear_ibuf [dreg:s7], $0x7FFFF;
	_ =	strace $0x90000046  }
0xb4: {  	s29 =	simm.s32 $0x9;
	_ =	strace $0x80000048  }
0xb5: {  	_ =	swait.ge [sflag:s29], $0x1  }
0xb6: {  	[sflag:s29] =	ssyncadd.s32 $0xFFFFFFFF  }
0xb7: {  	_ =	strace $0x90000048  }
0xb8: {  	_ =	sfence  }
0xb9: {  	s30 =	sld [smem:$0x0];
	_ =	sdelay $0x2  }
0xba: {  	s31 =	sshll.u32 s1, $0xD;
	s1 =	sshrl.u32 s1, $0x2  }
0xbb: {  	s3 =	sand.u32 $0x4000, s31;
	s1 =	sadd.s32 s1, s30  }
0xbc: {  	s0 =	sor.u32 s3, s0;
	s1 =	sshll.u32 s1, $0x11  }
0xbd: {  	s0 =	sor.u32 s1, s0  }
0xbe: {  	s0 =	sadd.s32 $0x8F2B, s0  }
0xbf: {  	[sflag:s0] =	ssyncadd.remote.s32 $0x1  }
0xc0: {  	_ =	sfence.sel $0xFFFF  }
0xc1: {  	[dreg:$0x0] =	wrdreg $0xFFFFFFFF;
	(pc) =	sbr.abs _section_cstart, $3  }
0xc2: {  	[dreg:$0x1] =	wrdreg $0xFFFFFFFF  }
0xc3: {  	_ =	task.clear_ibuf [dreg:s7], $0x2FFFF;
	_ =	strace $0x9FFFFFFF  }
0xc4: {  	(tm) =	ssettm $0x7FFFFFFF  }
0xc5: {  	_ =	shalt  }
tec
execute0_lowered:
.L_overlay_start_1:
0x0: {  	(tag) =	ssettag $0x1  }
0x1: {  	s0 =	rddreg [dreg:$0x0]  }
0x2: {  	s3 =	rddreg [dreg:$0x2];
	s1 =	srdreg.scid  }
0x3: {  	s17 =	stileid.u32;
	s4 =	rddreg [dreg:$0x3]  }
0x4: {  	s5 =	simm.s32 $0x0;
	s20 =	simm.s32 $0x80;
	s21 =	simm.s32 $0x9E00  }
0x5: {  	s22 =	simm.s32 $0xBE00;
	s23 =	simm.s32 $0x1;
	s2 =	smul.u32 $0x4F00, s17  }
0x6: {  	s24 =	simm.s32 $0x2;
	s25 =	simm.s32 $0x9D00;
	s9 =	smul.u32 $0x9E00, s17  }
0x7: {  	s26 =	simm.s32 $0x0;
	s1 =	sand.u32 $0x1, s1;
	s11 =	smul.u32 $0x2780, s17  }
0x8: {  	[smem:$0x7FF] =	sst s5;
	s6 =	sadd.s32 $0x16800, s0;
	s7 =	smul.u32 $0x4F000, s1  }
0x9: {  	s8 =	sadd.s32 $0x47E00, s0;
	s30 =	sshll.u32 s17, $0x6;
	s10 =	smul.u32 $0x9E000, s1  }
0xa: {  	_ =	strace $0x80000047;
	s12 =	smul.u32 $0x27800, s1;
	s14 =	ssub.s32 $0x2, s1  }
0xb: {  	p0 =	sne.s32 s1, $0x0;
	p1 =	seq.s32 s1, $0x0;
	s29 =	sshrl.u32 s14, $0x1  }
0xc: {  	s16 =	sadd.s32 s9, s3;
	s31 =	sadd.s32 s11, s4;
	s7 =	sadd.s32 s2, s7  }
0xd: {  	s2 =	sshrl.u32 s2, $0x3;
	s10 =	sadd.s32 s9, s10;
	s12 =	sadd.s32 s11, s12  }
0xe: {  	s14 =	ssub.s32 s14, s29;
	s9 =	sor.u32 $0x1C03, s30;
	s17 =	sshrl.u32 s31, $0x3  }
0xf: {  	s7 =	sshrl.u32 s7, $0x3;
	s2 =	sadd.s32 s2, s0;
	s10 =	sshrl.u32 s10, $0x3  }
0x10: {  	s12 =	sshrl.u32 s12, $0x3;
	s14 =	smax.u32 s14, $0x1;
	s13 =	sadd.s32 s7, s0  }
0x11: {  	s7 =	sadd.s32 $0x47800, s0;
	s15 =	sadd.s32 s10, s0;
	s0 =	sadd.s32 s12, s0  }
0x12: {  	s11 =	sadd.s32 $0x3DA00, s2;
	s10 =	sadd.s32 $0x2C00, s13;
	s12 =	sadd.s32 $0x51E00, s15  }
0x13: {  	s13 =	sadd.s32 $0x48000, s0;
	s15 =	sshrl.u32 s16, $0x3;
	s16 =	simm.s32 $0x3  }
.LBB2_1:
0x14: {  	s0 =	rddreg [dreg:$0x1]  }
0x15: {  	[spmem:s15], [sflag:s9] =	dma.local [hbm:s0], $0x13C0  }
0x16: {  	_ =	swait.ge [sflag:s16], $0x13C0  }
0x17: {  	[sflag:s16] =	ssyncset.done $0x0  }
0x18: {  	[sflag:s16] =	ssyncadd.s32 $0xFFFFEC40  }
0x19: {  	[spmem:s17], [sflag:s9] =	dma.local [hbm:s7], $0x4F0  }
0x1a: {  	_ =	swait.ge [sflag:s16], $0x4F0  }
0x1b: {  	[sflag:s16] =	ssyncset.done $0x0  }
0x1c: {  	s2 =	simm.s32 $0xDE00;
	[sflag:s16] =	ssyncadd.s32 $0xFFFFFB10  }
0x1d: {  	[tilespmem:s2], [sflag:$0x3] =	stream.linear.gather [hbm4b:s8+s5], $0x800, $0x38;
	[tilespmem:$0x1AB80] =	vst v63  }
0x1e: {  	_ =	swait.ge [sflag:s16], $0x800  }
0x1f: {  	[sflag:s16] =	ssyncset.done $0x0  }
0x20: {  	[sflag:s16] =	ssyncadd.s32 $0xFFFFF800  }
0x21: {  	[tilespmem:s5], [sflag:$0x3] =	stream.linear.gather [hbm4b:s10+s5], $0x4F00, $0x38;
	[tilespmem:$0x1AB80] =	vst v63  }
0x22: {  	_ =	swait.ge [sflag:s16], $0x4F00  }
0x23: {  	[sflag:s16] =	ssyncset.done $0x0  }
0x24: {  	s18 =	simm.s32 $0x4F00;
	[sflag:s16] =	ssyncadd.s32 $0xFFFFB100  }
0x25: {  	[tilespmem:s18], [sflag:$0x3] =	stream.linear.gather [hbm4b:s11+s5], $0x4F00, $0x38;
	[tilespmem:$0x1AB80] =	vst v63  }
0x26: {  	_ =	swait.ge [sflag:s16], $0x4F00  }
0x27: {  	[sflag:s16] =	ssyncset.done $0x0  }
0x28: {  	[sflag:s16] =	ssyncadd.s32 $0xFFFFB100  }
0x29: {  	[bflag:$0x0] =	sbarrier.arrive $0xFFFF  }
0x2a: {  	[tilespmem:s21], [sflag:$0x1] =	stream.indirect.gather [hbm4b:s6+s20], $0x40, s5, s20, $0xb8;
	[tilespmem:$0x1AB80] =	vst v63  }
0x2b: {  	_ = 	snop  }
0x2c: {  	[tilespmem:s22], [sflag:$0x2] =	stream.indirect.gather [hbm4b:s6+s20], $0x40, s20, s20, $0xb8;
	[tilespmem:$0x1AB80] =	vst v63  }
0x2d: {  	_ =	swait.ge [sflag:s23], $0x2000  }
0x2e: {  	[sflag:s23] =	ssyncset.done $0x0  }
0x2f: {  	s0 =	simm.s32 $0x4F00;
	[sflag:s23] =	ssyncadd.s32 $0xFFFFE000  }
0x30: {  	[spmem:s3] =	stream.indirect.scatter.add.f32 [tilespmem:s21], [sflag:$0x3], $0x40, s0, s20, $0xb8;
	[tilespmem:$0x1AB80] =	vst v63  }
0x31: {  	_ =	swait.ge [sflag:s16], $0x2000  }
0x32: {  	s28 =	simm.s32 @!p0 $0x3;
	[sflag:s16] =	ssyncset.done $0x0  }
0x33: {  	s29 =	simm.s32 @!p0 $0x80;
	s30 =	simm.s32 @!p0 $0xDE00;
	[sflag:s16] =	ssyncadd.s32 $0xFFFFE000  }
0x34: {  	[spmem:s4] =	stream.indirect.scatter.add.f32 @!p0 [tilespmem:s30], [sflag:$0x3], $0x10, s0, s29, $0xb8;
	[tilespmem:$0x1AB80] =	vst v63  }
0x35: {  	_ =	swait.ge @!p0 [sflag:s28], $0x800  }
0x36: {  	[sflag:s28] =	ssyncset.done @!p0 $0x0  }
0x37: {  	s19 =	simm.s32 $0x100;
	[sflag:s28] =	ssyncadd.s32 @!p0 $0xFFFFF800  }
0x38: {  	[tilespmem:s21], [sflag:$0x1] =	stream.indirect.gather [hbm4b:s6+s20], $0x40, s19, s20, $0xb8;
	[tilespmem:$0x1AB80] =	vst v63  }
0x39: {  	_ =	swait.ge [sflag:s24], $0x2000  }
0x3a: {  	[sflag:s24] =	ssyncset.done $0x0  }
0x3b: {  	s1 =	simm.s32 $0x4F80;
	[sflag:s24] =	ssyncadd.s32 $0xFFFFE000  }
0x3c: {  	[spmem:s3] =	stream.indirect.scatter.add.f32 [tilespmem:s22], [sflag:$0x3], $0x40, s1, s20, $0xb8;
	[tilespmem:$0x1AB80] =	vst v63  }
0x3d: {  	_ =	swait.ge [sflag:s16], $0x2000  }
0x3e: {  	s31 =	simm.s32 @!p1 $0xDE00;
	[sflag:s16] =	ssyncset.done $0x0  }
0x3f: {  	s2 =	simm.s32 @!p1 $0x3;
	s0 =	simm.s32 @!p1 $0x80;
	[sflag:s16] =	ssyncadd.s32 $0xFFFFE000  }
0x40: {  	[spmem:s4] =	stream.indirect.scatter.add.f32 @!p1 [tilespmem:s31], [sflag:$0x3], $0x10, s1, s0, $0xb8;
	[tilespmem:$0x1AB80] =	vst v63  }
0x41: {  	_ =	swait.ge @!p1 [sflag:s2], $0x800  }
0x42: {  	[sflag:s2] =	ssyncset.done @!p1 $0x0  }
0x43: {  	s18 =	simm.s32 $0x180;
	s1 =	simm.s32 $0x400;
	[sflag:s2] =	ssyncadd.s32 @!p1 $0xFFFFF800  }
.LBB2_2:
0x44: {  	[tilespmem:s22], [sflag:$0x2] =	stream.indirect.gather [hbm4b:s6+s20], $0x40, s18, s20, $0xb8;
	[tilespmem:$0x1AB80] =	vst v63  }
0x45: {  	s18 =	smov.u32 s1;
	s1 =	sadd.s32 $0x400, s1;
	_ =	swait.ge [sflag:s23], $0x2000  }
0x46: {  	s18 =	sshra.s32 s18, $0x2;
	p2 =	sne.s32 s1, $0x13800;
	[sflag:s23] =	ssyncset.done $0x0  }
0x47: {  	s19 =	sadd.s32 $0x4F00, s18;
	[sflag:s23] =	ssyncadd.s32 $0xFFFFE000  }
0x48: {  	[spmem:s3] =	stream.indirect.scatter.add.f32 [tilespmem:s21], [sflag:$0x3], $0x40, s19, s20, $0xb8;
	[tilespmem:$0x1AB80] =	vst v63  }
0x49: {  	_ =	swait.ge [sflag:s16], $0x2000  }
0x4a: {  	[sflag:s16] =	ssyncset.done $0x0  }
0x4b: {  	[sflag:s16] =	ssyncadd.s32 $0xFFFFE000  }
0x4c: {  	[spmem:s4] =	stream.indirect.scatter.add.f32 @!p0 [tilespmem:s30], [sflag:$0x3], $0x10, s19, s29, $0xb8;
	[tilespmem:$0x1AB80] =	vst v63  }
0x4d: {  	_ =	swait.ge @!p0 [sflag:s28], $0x800  }
0x4e: {  	[sflag:s28] =	ssyncset.done @!p0 $0x0  }
0x4f: {  	s19 =	sadd.s32 $0x100, s18;
	[sflag:s28] =	ssyncadd.s32 @!p0 $0xFFFFF800  }
0x50: {  	[tilespmem:s21], [sflag:$0x1] =	stream.indirect.gather [hbm4b:s6+s20], $0x40, s19, s20, $0xb8;
	[tilespmem:$0x1AB80] =	vst v63  }
0x51: {  	_ =	swait.ge [sflag:s24], $0x2000  }
0x52: {  	[sflag:s24] =	ssyncset.done $0x0  }
0x53: {  	s19 =	sadd.s32 $0x4F80, s18;
	[sflag:s24] =	ssyncadd.s32 $0xFFFFE000  }
0x54: {  	[spmem:s3] =	stream.indirect.scatter.add.f32 [tilespmem:s22], [sflag:$0x3], $0x40, s19, s20, $0xb8;
	[tilespmem:$0x1AB80] =	vst v63  }
0x55: {  	_ =	swait.ge [sflag:s16], $0x2000  }
0x56: {  	[sflag:s16] =	ssyncset.done $0x0  }
.Ltmp0:
0x57: {  	[sflag:s16] =	ssyncadd.s32 $0xFFFFE000;
	(pc) =	sbr.rel @p2 .LBB2_2-.Ltmp0, $4  }
0x58: {  	[spmem:s4] =	stream.indirect.scatter.add.f32 @!p1 [tilespmem:s31], [sflag:$0x3], $0x10, s19, s0, $0xb8;
	[tilespmem:$0x1AB80] =	vst v63  }
0x59: {  	_ =	swait.ge @!p1 [sflag:s2], $0x800  }
0x5a: {  	[sflag:s2] =	ssyncset.done @!p1 $0x0  }
0x5b: {  	s18 =	sadd.s32 $0x180, s18;
	[sflag:s2] =	ssyncadd.s32 @!p1 $0xFFFFF800  }
0x5c: {  	[tilespmem:s22], [sflag:$0x2] =	stream.indirect.gather [hbm4b:s6+s20], $0x40, s18, s20, $0xb8;
	[tilespmem:$0x1AB80] =	vst v63  }
0x5d: {  	_ =	swait.ge [sflag:s23], $0x2000  }
0x5e: {  	[sflag:s23] =	ssyncset.done $0x0  }
0x5f: {  	[sflag:s23] =	ssyncadd.s32 $0xFFFFE000  }
0x60: {  	[spmem:s3] =	stream.indirect.scatter.add.f32 [tilespmem:s21], [sflag:$0x3], $0x40, s25, s20, $0xb8;
	[tilespmem:$0x1AB80] =	vst v63  }
0x61: {  	_ =	swait.ge [sflag:s16], $0x2000  }
0x62: {  	[sflag:s16] =	ssyncset.done $0x0  }
0x63: {  	s0 =	simm.s32 @p0 $0x2;
	[sflag:s16] =	ssyncadd.s32 $0xFFFFE000  }
0x64: {  	_ =	swait.ge @p0 [sflag:s0], $0x2000  }
0x65: {  	s1 =	simm.s32 @p0 $0x9D80;
	[sflag:s0] =	ssyncset.done @p0 $0x0  }
0x66: {  	s2 =	simm.s32 @p0 $0xBE00;
	[sflag:s0] =	ssyncadd.s32 @p0 $0xFFFFE000;
	s0 =	simm.s32 @p0 $0x80  }
0x67: {  	[spmem:s3] =	stream.indirect.scatter.add.f32 @p0 [tilespmem:s2], [sflag:$0x3], $0x40, s1, s0, $0xb8;
	[tilespmem:$0x1AB80] =	vst v63  }
0x68: {  	s2 =	simm.s32 @p0 $0x3  }
0x69: {  	_ =	swait.ge @p0 [sflag:s2], $0x2000  }
0x6a: {  	[sflag:s2] =	ssyncset.done @p0 $0x0  }
0x6b: {  	s18 =	simm.s32 @p0 $0xDE00;
	[sflag:s2] =	ssyncadd.s32 @p0 $0xFFFFE000  }
0x6c: {  	[spmem:s4] =	stream.indirect.scatter.add.f32 @p0 [tilespmem:s18], [sflag:$0x3], $0x10, s1, s0, $0xb8;
	[tilespmem:$0x1AB80] =	vst v63  }
0x6d: {  	_ =	swait.ge @p0 [sflag:s2], $0x800  }
0x6e: {  	[sflag:s2] =	ssyncset.done @p0 $0x0  }
0x6f: {  	s0 =	simm.s32 @!p0 $0x9D00;
	[sflag:s2] =	ssyncadd.s32 @p0 $0xFFFFF800  }
0x70: {  	[spmem:s4] =	stream.indirect.scatter.add.f32 @!p0 [tilespmem:s30], [sflag:$0x3], $0x10, s0, s29, $0xb8;
	[tilespmem:$0x1AB80] =	vst v63  }
0x71: {  	_ =	swait.ge @!p0 [sflag:s28], $0x800  }
0x72: {  	[sflag:s28] =	ssyncset.done @!p0 $0x0  }
0x73: {  	s0 =	simm.s32 @!p0 $0x2;
	[sflag:s28] =	ssyncadd.s32 @!p0 $0xFFFFF800  }
0x74: {  	_ =	swait.ge @!p0 [sflag:s0], $0x2000  }
0x75: {  	[sflag:s0] =	ssyncset.done @!p0 $0x0  }
0x76: {  	s1 =	simm.s32 @!p0 $0xBE00;
	[sflag:s0] =	ssyncadd.s32 @!p0 $0xFFFFE000;
	s0 =	simm.s32 @!p0 $0x9D80  }
0x77: {  	[spmem:s3] =	stream.indirect.scatter.add.f32 @!p0 [tilespmem:s1], [sflag:$0x3], $0x40, s0, s29, $0xb8;
	[tilespmem:$0x1AB80] =	vst v63  }
0x78: {  	_ =	swait.ge @!p0 [sflag:s28], $0x2000  }
0x79: {  	[sflag:s28] =	ssyncset.done @!p0 $0x0  }
0x7a: {  	[sflag:s28] =	ssyncadd.s32 @!p0 $0xFFFFE000  }
0x7b: {  	[bflag:$0x0] =	sbarrier.arrive $0xFFFF  }
0x7c: {  	[hbm:s12], [sflag:s9] =	dma.local [spmem:s15], $0x13C0  }
0x7d: {  	s26 =	sadd.s32 $0x1, s26;
	_ =	swait.ge [sflag:s16], $0x13C0  }
0x7e: {  	p2 =	sne.s32 s26, s14;
	[sflag:s16] =	ssyncset.done $0x0  }
.Ltmp1:
0x7f: {  	[sflag:s16] =	ssyncadd.s32 $0xFFFFEC40;
	(pc) =	sbr.rel @p2 .LBB2_1-.Ltmp1, $4  }
0x80: {  	[hbm:s13], [sflag:s9] =	dma.local [spmem:s17], $0x4F0  }
0x81: {  	_ =	swait.ge [sflag:s16], $0x4F0  }
0x82: {  	[sflag:s16] =	ssyncset.done $0x0  }
0x83: {  	[sflag:s16] =	ssyncadd.s32 $0xFFFFFB10  }
0x84: {  	_ =	sfence.sel $0x180000  }
0x85: {  	[bflag:$0x0] =	sbarrier.arrive $0xFFFF  }
0x86: {  	_ =	strace $0x90000047  }
0x87: {  	s0 =	stileid.u32;
	[bflag:$0x2] =	sbarrier.arrive $0xFFFF  }
0x88: {  	p0 =	sne.s32 s0, $0x0;
	s0 =	rddreg [dreg:$0x4]  }
0x89: {  	s0 =	sadd.s32 @!p0 $0x100000, s0  }
0x8a: {  	[sflag:s0] =	ssyncadd.tile.s32 @!p0 $0x1;
	_ =	shalt  }
.Lfunc_end2:
_tile_overlayer_lowered:
.L_overlay_start_2:
0x8b: {  	(tag) =	ssettag $0x2  }
0x8c: {  	s0 =	rddreg [dreg:$0x0];
	s2 =	stileid.u32  }
0x8d: {  	s1 =	rddreg [dreg:$0x1];
	p0 =	sne.s32 s2, $0x0  }
0x8e: {  	s3 =	rddreg [dreg:$0x2];
	[bflag:$0x3] =	sbarrier.arrive $0xFFFF;
	s2 =	simm.s32 @!p0 $0x1C03  }
0x8f: {  	[timem:s3], [sflag:s2] =	dma.local @!p0 [hbm:s0], s1  }
0x90: {  	s0 =	simm.s32 @!p0 $0x3  }
0x91: {  	_ =	swait.ge @!p0 [sflag:s0], s1  }
0x92: {  	s1 =	ssub.s32 @!p0 $0x0, s1;
	[sflag:s0] =	ssyncset.done @!p0 $0x0  }
0x93: {  	[sflag:s0] =	ssyncadd.s32 @!p0 s1  }
0x94: {  	[bflag:$0x3] =	sbarrier.arrive $0xFFFF  }
0x95: {  	_ =	shalt  }

</sc_bundles>
